<compile_context>
chip_gen: v7x
topology: tpu7x:2x2x1
jax: 0.10.2.dev20260603
libtpu: 0.0.44.dev20260713+nightly
codegen_flags: <defaults>
</compile_context>

<pallas_src>
import jax
import jax.numpy as jnp
from jax import lax
from jax.experimental import pallas as pl
from jax.experimental.pallas import tpu as pltpu
from jax.experimental.pallas import tpu_sc as plsc

N_NODES = 1000000
D = 128
B = 16384
L = 16
NC = 2
NS = 16
NW = NC * NS
ROWS_PER_W = B // NW
CHUNK_SIZES = (256, 192, 64)
CHUNK_OFFS = (0, 256, 448)
CHUNKS = len(CHUNK_SIZES)
UNROLL = 2

_GATHER_DNUMS = lax.GatherDimensionNumbers(
    offset_dims=(), collapsed_slice_dims=(0,), start_index_map=(0,))


def _sc_body(mem_hbm, idx_hbm, td_hbm, w_hbm, b_hbm, out_hbm,
             idx_v, td_v, w_v, b_v, rows_v, gsems, wsems):
    wid = lax.axis_index("s") * NC + lax.axis_index("c")
    base = wid * ROWS_PER_W

    pltpu.sync_copy(idx_hbm.at[pl.ds(base, ROWS_PER_W)], idx_v)
    gathers = [
        pltpu.async_copy(
            mem_hbm.at[idx_v.at[pl.ds(CHUNK_OFFS[k], CHUNK_SIZES[k])]],
            rows_v.at[pl.ds(CHUNK_OFFS[k], CHUNK_SIZES[k])], gsems[k])
        for k in range(CHUNKS)
    ]

    pltpu.sync_copy(td_hbm.at[pl.ds(base, ROWS_PER_W)], td_v)
    pltpu.sync_copy(w_hbm, w_v)
    pltpu.sync_copy(b_hbm, b_v)

    w_c = [w_v[pl.ds(c * L, L)] for c in range(D // L)]
    b1_c = [b_v[pl.ds(c * L, L)] + 1.0 for c in range(D // L)]

    def row_body(i, carry):
        blk = i * UNROLL // L
        tdv = td_v[pl.ds(blk * L, L)]
        for u in range(UNROLL):
            r = i * UNROLL + u
            lane = r - blk * L
            lidx = jnp.broadcast_to(
                jnp.reshape(lane.astype(jnp.int32), (1, 1)), (L, 1))
            tds = lax.gather(
                tdv, lidx, _GATHER_DNUMS, (1,),
                mode=lax.GatherScatterMode.PROMISE_IN_BOUNDS)
            for c in range(D // L):
                sl = pl.ds(c * L, L)
                rows_v[r, sl] = rows_v[r, sl] * (tds * w_c[c] + b1_c[c])
        return carry

    writes = []
    for k in range(CHUNKS):
        gathers[k].wait()
        lax.fori_loop(CHUNK_OFFS[k] // UNROLL,
                      (CHUNK_OFFS[k] + CHUNK_SIZES[k]) // UNROLL,
                      row_body, 0)
        writes.append(
            pltpu.async_copy(
                rows_v.at[pl.ds(CHUNK_OFFS[k], CHUNK_SIZES[k])],
                out_hbm.at[pl.ds(base + CHUNK_OFFS[k], CHUNK_SIZES[k])],
                wsems[k]))

    for wr in writes:
        wr.wait()


@jax.jit
def _time_embedding_sc(memory, source_nodes, time_diffs, W, b):
    mesh = plsc.VectorSubcoreMesh(
        core_axis_name="c", subcore_axis_name="s",
        num_cores=NC, num_subcores=NS)
    return pl.kernel(
        _sc_body,
        out_type=jax.ShapeDtypeStruct((B, D), jnp.float32),
        mesh=mesh,
        scratch_types=[
            pltpu.VMEM((ROWS_PER_W,), jnp.int32),
            pltpu.VMEM((ROWS_PER_W,), jnp.float32),
            pltpu.VMEM((D,), jnp.float32),
            pltpu.VMEM((D,), jnp.float32),
            pltpu.VMEM((ROWS_PER_W, D), jnp.float32),
            [pltpu.SemaphoreType.DMA] * CHUNKS,
            [pltpu.SemaphoreType.DMA] * CHUNKS,
        ],
    )(memory, source_nodes, time_diffs, W, b)


def kernel(memory, source_nodes, timestamps, n_layers, n_neighbors,
           time_diffs, W, b):
    return _time_embedding_sc(memory, source_nodes, time_diffs, W[:, 0], b)

# --- scband reference (transcript-rebuilt; emitter-appended) ---
"""Pipeline reference for scband-time-embedding-12515534701231 (READ-ONLY COPY).

The authoritative reference and input builder live on the scoring server;
editing this copy changes nothing except your own understanding.
"""

import jax, jax.numpy as jnp
import numpy as np

N_NODES = 1000000
D = 128
B = 16384

def setup_inputs(seed: int = 0) -> dict:
    key = jax.random.key(seed)
    k1, k2, k3, k4, k5, k6 = jax.random.split(key, 6)
    memory = jax.random.normal(k1, (N_NODES, D), dtype=jnp.float32)
    source_nodes = jax.random.randint(k2, (B,), 0, N_NODES, dtype=jnp.int32)
    timestamps = jax.random.uniform(k3, (B,), dtype=jnp.float32)
    time_diffs = jax.random.normal(k4, (B,), dtype=jnp.float32)
    # NormalLinear(1, n_node_features): weight [D,1], bias [D], init N(0, 1/sqrt(in_features=1))
    stdv = 1.0 / np.sqrt(1.0)
    W = jax.random.normal(k5, (D, 1), dtype=jnp.float32) * stdv
    b = jax.random.normal(k6, (D,), dtype=jnp.float32) * stdv
    return {"memory": memory, "source_nodes": source_nodes, "timestamps": timestamps,
            "n_layers": 1, "n_neighbors": 1, "time_diffs": time_diffs, "W": W, "b": b}

def reference(memory, source_nodes, timestamps, n_layers, n_neighbors, time_diffs, W, b):
    # time_embed = 1 + Linear(time_diffs.unsqueeze(1))  -> [B, D]
    time_embed = 1.0 + (time_diffs[:, None] * W[:, 0][None, :] + b[None, :])
    # source_embeddings = memory[source_nodes, :] * time_embed  (gather + elementwise)
    source_embeddings = jnp.take(memory, source_nodes, axis=0) * time_embed
    return source_embeddings

if __name__ == "__main__":
    import jax
    _d = setup_inputs()
    print(jax.jit(kernel)(*tuple(_d.values())))

</pallas_src>

<mosaic_0001>
#map = affine_map<(d0, d1) -> (0, 0)>
#map1 = affine_map<(d0, d1) -> (0)>
module attributes {stable_mosaic.version = 14 : i64} {
  func.func @_sc_body(%arg0: i32, %arg1: i32, %arg2: memref<1000000x128xf32, #tpu.memory_space<hbm>>, %arg3: memref<16384xi32, #tpu.memory_space<hbm>>, %arg4: memref<16384xf32, #tpu.memory_space<hbm>>, %arg5: memref<128xf32, #tpu.memory_space<hbm>>, %arg6: memref<128xf32, #tpu.memory_space<hbm>>, %arg7: memref<16384x128xf32, #tpu.memory_space<hbm>>, %arg8: memref<512xi32, #tpu.memory_space<vmem>>, %arg9: memref<512xf32, #tpu.memory_space<vmem>>, %arg10: memref<128xf32, #tpu.memory_space<vmem>>, %arg11: memref<128xf32, #tpu.memory_space<vmem>>, %arg12: memref<512x128xf32, #tpu.memory_space<vmem>>, %arg13: memref<!tpu.dma_semaphore, #tpu.memory_space<semaphore_mem>>, %arg14: memref<!tpu.dma_semaphore, #tpu.memory_space<semaphore_mem>>, %arg15: memref<!tpu.dma_semaphore, #tpu.memory_space<semaphore_mem>>, %arg16: memref<!tpu.dma_semaphore, #tpu.memory_space<semaphore_mem>>, %arg17: memref<!tpu.dma_semaphore, #tpu.memory_space<semaphore_mem>>, %arg18: memref<!tpu.dma_semaphore, #tpu.memory_space<semaphore_mem>>) attributes {dimension_semantics = [#tpu.dimension_semantics<core_parallel>, #tpu.dimension_semantics<subcore_parallel>], iteration_bounds = array<i64: 2, 16>, scalar_prefetch = 0 : i64, scratch_operands = 11 : i64, tpu.core_type = #tpu.core_type<sc_vector_subcore>, window_params = [{transform_indices = #map}, {transform_indices = #map1}, {transform_indices = #map1}, {transform_indices = #map1}, {transform_indices = #map1}, {transform_indices = #map}]} {
    %mul3A = arith.constant 2 : i32
    %mul3A_0 = arith.muli %arg1, %mul3A : i32
    %add3A = arith.addi %mul3A_0, %arg0 : i32
    %mul3A_1 = arith.constant 512 : i32
    %mul3A_2 = arith.muli %add3A, %mul3A_1 : i32
    "tpu.region"() ({
      %run_scoped3A = tpu.sem_alloc : memref<!tpu.dma_semaphore, #tpu.memory_space<semaphore_mem>>
      %dma_start3A_203 = tpu.memref_slice %arg3[%mul3A_2] : memref<16384xi32, #tpu.memory_space<hbm>> -> memref<512xi32, #tpu.memory_space<hbm>>
      %dma_start3A_204 = tpu.memref_slice %arg3[%mul3A_2] : memref<16384xi32, #tpu.memory_space<hbm>> -> memref<512xi32, #tpu.memory_space<hbm>>
      tpu.enqueue_dma source(%dma_start3A_204 : memref<512xi32, #tpu.memory_space<hbm>>) target(%arg8 : memref<512xi32, #tpu.memory_space<vmem>>) target_semaphore(%run_scoped3A : memref<!tpu.dma_semaphore, #tpu.memory_space<semaphore_mem>>)
      %dma_wait3A_205 = tpu.memref_slice %arg3[%mul3A_2] : memref<16384xi32, #tpu.memory_space<hbm>> -> memref<512xi32, #tpu.memory_space<hbm>>
      %dma_wait3A_206 = tpu.memref_slice %arg3[%mul3A_2] : memref<16384xi32, #tpu.memory_space<hbm>> -> memref<512xi32, #tpu.memory_space<hbm>>
      tpu.wait_dma2 semaphore(%run_scoped3A : memref<!tpu.dma_semaphore, #tpu.memory_space<semaphore_mem>>) src(%dma_wait3A_206 : memref<512xi32, #tpu.memory_space<hbm>>) dst(%arg8 : memref<512xi32, #tpu.memory_space<vmem>>)
      tpu.yield
    }) : () -> ()
    %dma_start3A = arith.constant 0 : i32
    %dma_start3A_3 = arith.constant 0 : i32
    %dma_start3A_4 = tpu.memref_slice %arg12[%dma_start3A, %dma_start3A_3] : memref<512x128xf32, #tpu.memory_space<vmem>> -> memref<256x128xf32, #tpu.memory_space<vmem>>
    %dma_start3A_5 = arith.constant 0 : i32
    %dma_start3A_6 = tpu.memref_slice %arg8[%dma_start3A_5] : memref<512xi32, #tpu.memory_space<vmem>> -> memref<256xi32, #tpu.memory_space<vmem>>
    %dma_start3A_7 = arith.constant 0 : i32
    %dma_start3A_8 = arith.constant 0 : i32
    %dma_start3A_9 = tpu.memref_slice %arg2[%dma_start3A_7, %dma_start3A_8] : memref<1000000x128xf32, #tpu.memory_space<hbm>> -> memref<1000000x128xf32, #tpu.memory_space<hbm>>
    tpu.enqueue_indirect_dma source(%dma_start3A_9 : memref<1000000x128xf32, #tpu.memory_space<hbm>>) target(%dma_start3A_4 : memref<256x128xf32, #tpu.memory_space<vmem>>) offsets(%dma_start3A_6 : memref<256xi32, #tpu.memory_space<vmem>>) semaphore(%arg13 : memref<!tpu.dma_semaphore, #tpu.memory_space<semaphore_mem>>)
    %dma_start3A_10 = arith.constant 256 : i32
    %dma_start3A_11 = arith.constant 0 : i32
    %dma_start3A_12 = tpu.memref_slice %arg12[%dma_start3A_10, %dma_start3A_11] : memref<512x128xf32, #tpu.memory_space<vmem>> -> memref<192x128xf32, #tpu.memory_space<vmem>>
    %dma_start3A_13 = arith.constant 256 : i32
    %dma_start3A_14 = tpu.memref_slice %arg8[%dma_start3A_13] : memref<512xi32, #tpu.memory_space<vmem>> -> memref<192xi32, #tpu.memory_space<vmem>>
    %dma_start3A_15 = arith.constant 0 : i32
    %dma_start3A_16 = arith.constant 0 : i32
    %dma_start3A_17 = tpu.memref_slice %arg2[%dma_start3A_15, %dma_start3A_16] : memref<1000000x128xf32, #tpu.memory_space<hbm>> -> memref<1000000x128xf32, #tpu.memory_space<hbm>>
    tpu.enqueue_indirect_dma source(%dma_start3A_17 : memref<1000000x128xf32, #tpu.memory_space<hbm>>) target(%dma_start3A_12 : memref<192x128xf32, #tpu.memory_space<vmem>>) offsets(%dma_start3A_14 : memref<192xi32, #tpu.memory_space<vmem>>) semaphore(%arg14 : memref<!tpu.dma_semaphore, #tpu.memory_space<semaphore_mem>>)
    %dma_start3A_18 = arith.constant 448 : i32
    %dma_start3A_19 = arith.constant 0 : i32
    %dma_start3A_20 = tpu.memref_slice %arg12[%dma_start3A_18, %dma_start3A_19] : memref<512x128xf32, #tpu.memory_space<vmem>> -> memref<64x128xf32, #tpu.memory_space<vmem>>
    %dma_start3A_21 = arith.constant 448 : i32
    %dma_start3A_22 = tpu.memref_slice %arg8[%dma_start3A_21] : memref<512xi32, #tpu.memory_space<vmem>> -> memref<64xi32, #tpu.memory_space<vmem>>
    %dma_start3A_23 = arith.constant 0 : i32
    %dma_start3A_24 = arith.constant 0 : i32
    %dma_start3A_25 = tpu.memref_slice %arg2[%dma_start3A_23, %dma_start3A_24] : memref<1000000x128xf32, #tpu.memory_space<hbm>> -> memref<1000000x128xf32, #tpu.memory_space<hbm>>
    tpu.enqueue_indirect_dma source(%dma_start3A_25 : memref<1000000x128xf32, #tpu.memory_space<hbm>>) target(%dma_start3A_20 : memref<64x128xf32, #tpu.memory_space<vmem>>) offsets(%dma_start3A_22 : memref<64xi32, #tpu.memory_space<vmem>>) semaphore(%arg15 : memref<!tpu.dma_semaphore, #tpu.memory_space<semaphore_mem>>)
    "tpu.region"() ({
      %run_scoped3A = tpu.sem_alloc : memref<!tpu.dma_semaphore, #tpu.memory_space<semaphore_mem>>
      %dma_start3A_203 = tpu.memref_slice %arg4[%mul3A_2] : memref<16384xf32, #tpu.memory_space<hbm>> -> memref<512xf32, #tpu.memory_space<hbm>>
      %dma_start3A_204 = tpu.memref_slice %arg4[%mul3A_2] : memref<16384xf32, #tpu.memory_space<hbm>> -> memref<512xf32, #tpu.memory_space<hbm>>
      tpu.enqueue_dma source(%dma_start3A_204 : memref<512xf32, #tpu.memory_space<hbm>>) target(%arg9 : memref<512xf32, #tpu.memory_space<vmem>>) target_semaphore(%run_scoped3A : memref<!tpu.dma_semaphore, #tpu.memory_space<semaphore_mem>>)
      %dma_wait3A_205 = tpu.memref_slice %arg4[%mul3A_2] : memref<16384xf32, #tpu.memory_space<hbm>> -> memref<512xf32, #tpu.memory_space<hbm>>
      %dma_wait3A_206 = tpu.memref_slice %arg4[%mul3A_2] : memref<16384xf32, #tpu.memory_space<hbm>> -> memref<512xf32, #tpu.memory_space<hbm>>
      tpu.wait_dma2 semaphore(%run_scoped3A : memref<!tpu.dma_semaphore, #tpu.memory_space<semaphore_mem>>) src(%dma_wait3A_206 : memref<512xf32, #tpu.memory_space<hbm>>) dst(%arg9 : memref<512xf32, #tpu.memory_space<vmem>>)
      tpu.yield
    }) : () -> ()
    "tpu.region"() ({
      %run_scoped3A = tpu.sem_alloc : memref<!tpu.dma_semaphore, #tpu.memory_space<semaphore_mem>>
      tpu.enqueue_dma source(%arg5 : memref<128xf32, #tpu.memory_space<hbm>>) target(%arg10 : memref<128xf32, #tpu.memory_space<vmem>>) target_semaphore(%run_scoped3A : memref<!tpu.dma_semaphore, #tpu.memory_space<semaphore_mem>>)
      tpu.wait_dma2 semaphore(%run_scoped3A : memref<!tpu.dma_semaphore, #tpu.memory_space<semaphore_mem>>) src(%arg5 : memref<128xf32, #tpu.memory_space<hbm>>) dst(%arg10 : memref<128xf32, #tpu.memory_space<vmem>>)
      tpu.yield
    }) : () -> ()
    "tpu.region"() ({
      %run_scoped3A = tpu.sem_alloc : memref<!tpu.dma_semaphore, #tpu.memory_space<semaphore_mem>>
      tpu.enqueue_dma source(%arg6 : memref<128xf32, #tpu.memory_space<hbm>>) target(%arg11 : memref<128xf32, #tpu.memory_space<vmem>>) target_semaphore(%run_scoped3A : memref<!tpu.dma_semaphore, #tpu.memory_space<semaphore_mem>>)
      tpu.wait_dma2 semaphore(%run_scoped3A : memref<!tpu.dma_semaphore, #tpu.memory_space<semaphore_mem>>) src(%arg6 : memref<128xf32, #tpu.memory_space<hbm>>) dst(%arg11 : memref<128xf32, #tpu.memory_space<vmem>>)
      tpu.yield
    }) : () -> ()
    %get3A = arith.constant 0 : index
    %get3A_26 = tpu.vector_load %arg10[%get3A] {strides = array<i32>} : memref<128xf32, #tpu.memory_space<vmem>>, vector<16xf32>,
    %get3A_27 = vector.shape_cast %get3A_26 : vector<16xf32> to vector<16xf32>
    %get3A_28 = arith.constant 16 : index
    %get3A_29 = tpu.vector_load %arg10[%get3A_28] {strides = array<i32>} : memref<128xf32, #tpu.memory_space<vmem>>, vector<16xf32>,
    %get3A_30 = vector.shape_cast %get3A_29 : vector<16xf32> to vector<16xf32>
    %get3A_31 = arith.constant 32 : index
    %get3A_32 = tpu.vector_load %arg10[%get3A_31] {strides = array<i32>} : memref<128xf32, #tpu.memory_space<vmem>>, vector<16xf32>,
    %get3A_33 = vector.shape_cast %get3A_32 : vector<16xf32> to vector<16xf32>
    %get3A_34 = arith.constant 48 : index
    %get3A_35 = tpu.vector_load %arg10[%get3A_34] {strides = array<i32>} : memref<128xf32, #tpu.memory_space<vmem>>, vector<16xf32>,
    %get3A_36 = vector.shape_cast %get3A_35 : vector<16xf32> to vector<16xf32>
    %get3A_37 = arith.constant 64 : index
    %get3A_38 = tpu.vector_load %arg10[%get3A_37] {strides = array<i32>} : memref<128xf32, #tpu.memory_space<vmem>>, vector<16xf32>,
    %get3A_39 = vector.shape_cast %get3A_38 : vector<16xf32> to vector<16xf32>
    %get3A_40 = arith.constant 80 : index
    %get3A_41 = tpu.vector_load %arg10[%get3A_40] {strides = array<i32>} : memref<128xf32, #tpu.memory_space<vmem>>, vector<16xf32>,
    %get3A_42 = vector.shape_cast %get3A_41 : vector<16xf32> to vector<16xf32>
    %get3A_43 = arith.constant 96 : index
    %get3A_44 = tpu.vector_load %arg10[%get3A_43] {strides = array<i32>} : memref<128xf32, #tpu.memory_space<vmem>>, vector<16xf32>,
    %get3A_45 = vector.shape_cast %get3A_44 : vector<16xf32> to vector<16xf32>
    %get3A_46 = arith.constant 112 : index
    %get3A_47 = tpu.vector_load %arg10[%get3A_46] {strides = array<i32>} : memref<128xf32, #tpu.memory_space<vmem>>, vector<16xf32>,
    %get3A_48 = vector.shape_cast %get3A_47 : vector<16xf32> to vector<16xf32>
    %get3A_49 = arith.constant 0 : index
    %get3A_50 = tpu.vector_load %arg11[%get3A_49] {strides = array<i32>} : memref<128xf32, #tpu.memory_space<vmem>>, vector<16xf32>,
    %get3A_51 = vector.shape_cast %get3A_50 : vector<16xf32> to vector<16xf32>
    %add3A_52 = arith.constant 1.000000e+00 : f32
    %add3A_53 = vector.broadcast %add3A_52 : f32 to vector<16xf32>
    %add3A_54 = arith.addf %get3A_51, %add3A_53 : vector<16xf32>
    %get3A_55 = arith.constant 16 : index
    %get3A_56 = tpu.vector_load %arg11[%get3A_55] {strides = array<i32>} : memref<128xf32, #tpu.memory_space<vmem>>, vector<16xf32>,
    %get3A_57 = vector.shape_cast %get3A_56 : vector<16xf32> to vector<16xf32>
    %add3A_58 = arith.constant 1.000000e+00 : f32
    %add3A_59 = vector.broadcast %add3A_58 : f32 to vector<16xf32>
    %add3A_60 = arith.addf %get3A_57, %add3A_59 : vector<16xf32>
    %get3A_61 = arith.constant 32 : index
    %get3A_62 = tpu.vector_load %arg11[%get3A_61] {strides = array<i32>} : memref<128xf32, #tpu.memory_space<vmem>>, vector<16xf32>,
    %get3A_63 = vector.shape_cast %get3A_62 : vector<16xf32> to vector<16xf32>
    %add3A_64 = arith.constant 1.000000e+00 : f32
    %add3A_65 = vector.broadcast %add3A_64 : f32 to vector<16xf32>
    %add3A_66 = arith.addf %get3A_63, %add3A_65 : vector<16xf32>
    %get3A_67 = arith.constant 48 : index
    %get3A_68 = tpu.vector_load %arg11[%get3A_67] {strides = array<i32>} : memref<128xf32, #tpu.memory_space<vmem>>, vector<16xf32>,
    %get3A_69 = vector.shape_cast %get3A_68 : vector<16xf32> to vector<16xf32>
    %add3A_70 = arith.constant 1.000000e+00 : f32
    %add3A_71 = vector.broadcast %add3A_70 : f32 to vector<16xf32>
    %add3A_72 = arith.addf %get3A_69, %add3A_71 : vector<16xf32>
    %get3A_73 = arith.constant 64 : index
    %get3A_74 = tpu.vector_load %arg11[%get3A_73] {strides = array<i32>} : memref<128xf32, #tpu.memory_space<vmem>>, vector<16xf32>,
    %get3A_75 = vector.shape_cast %get3A_74 : vector<16xf32> to vector<16xf32>
    %add3A_76 = arith.constant 1.000000e+00 : f32
    %add3A_77 = vector.broadcast %add3A_76 : f32 to vector<16xf32>
    %add3A_78 = arith.addf %get3A_75, %add3A_77 : vector<16xf32>
    %get3A_79 = arith.constant 80 : index
    %get3A_80 = tpu.vector_load %arg11[%get3A_79] {strides = array<i32>} : memref<128xf32, #tpu.memory_space<vmem>>, vector<16xf32>,
    %get3A_81 = vector.shape_cast %get3A_80 : vector<16xf32> to vector<16xf32>
    %add3A_82 = arith.constant 1.000000e+00 : f32
    %add3A_83 = vector.broadcast %add3A_82 : f32 to vector<16xf32>
    %add3A_84 = arith.addf %get3A_81, %add3A_83 : vector<16xf32>
    %get3A_85 = arith.constant 96 : index
    %get3A_86 = tpu.vector_load %arg11[%get3A_85] {strides = array<i32>} : memref<128xf32, #tpu.memory_space<vmem>>, vector<16xf32>,
    %get3A_87 = vector.shape_cast %get3A_86 : vector<16xf32> to vector<16xf32>
    %add3A_88 = arith.constant 1.000000e+00 : f32
    %add3A_89 = vector.broadcast %add3A_88 : f32 to vector<16xf32>
    %add3A_90 = arith.addf %get3A_87, %add3A_89 : vector<16xf32>
    %get3A_91 = arith.constant 112 : index
    %get3A_92 = tpu.vector_load %arg11[%get3A_91] {strides = array<i32>} : memref<128xf32, #tpu.memory_space<vmem>>, vector<16xf32>,
    %get3A_93 = vector.shape_cast %get3A_92 : vector<16xf32> to vector<16xf32>
    %add3A_94 = arith.constant 1.000000e+00 : f32
    %add3A_95 = vector.broadcast %add3A_94 : f32 to vector<16xf32>
    %add3A_96 = arith.addf %get3A_93, %add3A_95 : vector<16xf32>
    %dma_wait3A = arith.constant 0 : i32
    %dma_wait3A_97 = arith.constant 0 : i32
    %dma_wait3A_98 = tpu.memref_slice %arg12[%dma_wait3A, %dma_wait3A_97] : memref<512x128xf32, #tpu.memory_space<vmem>> -> memref<256x128xf32, #tpu.memory_space<vmem>>
    %dma_wait3A_99 = arith.constant 0 : i32
    %dma_wait3A_100 = tpu.memref_slice %arg8[%dma_wait3A_99] : memref<512xi32, #tpu.memory_space<vmem>> -> memref<256xi32, #tpu.memory_space<vmem>>
    %dma_wait3A_101 = arith.constant 0 : i32
    %dma_wait3A_102 = arith.constant 0 : i32
    %dma_wait3A_103 = tpu.memref_slice %arg2[%dma_wait3A_101, %dma_wait3A_102] : memref<1000000x128xf32, #tpu.memory_space<hbm>> -> memref<1000000x128xf32, #tpu.memory_space<hbm>>
    tpu.wait_indirect_dma semaphore(%arg13 : memref<!tpu.dma_semaphore, #tpu.memory_space<semaphore_mem>>) src(%dma_wait3A_103 : memref<1000000x128xf32, #tpu.memory_space<hbm>>) dst(%dma_wait3A_98 : memref<256x128xf32, #tpu.memory_space<vmem>>)
    %scan3A = arith.constant 0 : i32
    %scan3A_104 = arith.constant 0 : i32
    %scan3A_105 = arith.constant 128 : i32
    %scan3A_106 = arith.addi %scan3A_104, %scan3A_105 : i32
    %scan3A_107 = arith.constant 1 : i32
    scf.for %scan3A_203 = %scan3A_104 to %scan3A_106 step %scan3A_107  : i32 {
      %mul3A_204 = arith.constant 2 : i32
      %mul3A_205 = arith.muli %scan3A_203, %mul3A_204 : i32
      %jit3A = arith.constant 16 : i32
      %div3A = arith.divsi %mul3A_205, %jit3A : i32
      %sign3A = arith.constant 0 : i32
      %sign3A_206 = arith.cmpi sgt, %mul3A_205, %sign3A : i32
      %sign3A_207 = arith.extui %sign3A_206 : i1 to i32
      %sign3A_208 = arith.constant 0 : i32
      %sign3A_209 = arith.cmpi slt, %mul3A_205, %sign3A_208 : i32
      %sign3A_210 = arith.extui %sign3A_209 : i1 to i32
      %sign3A_211 = arith.subi %sign3A_207, %sign3A_210 : i32
      %sign3A_212 = arith.constant 0 : i32
      %sign3A_213 = arith.cmpi sgt, %jit3A, %sign3A_212 : i32
      %sign3A_214 = arith.extui %sign3A_213 : i1 to i32
      %sign3A_215 = arith.constant 0 : i32
      %sign3A_216 = arith.cmpi slt, %jit3A, %sign3A_215 : i32
      %sign3A_217 = arith.extui %sign3A_216 : i1 to i32
      %sign3A_218 = arith.subi %sign3A_214, %sign3A_217 : i32
      %ne3A = arith.cmpi ne, %sign3A_211, %sign3A_218 : i32
      %rem3A = arith.remsi %mul3A_205, %jit3A : i32
      %ne3A_219 = arith.constant 0 : i32
      %ne3A_220 = arith.cmpi ne, %rem3A, %ne3A_219 : i32
      %and3A = arith.andi %ne3A, %ne3A_220 : i1
      %sub3A = arith.constant 1 : i32
      %sub3A_221 = arith.subi %div3A, %sub3A : i32
      %select_n3A = arith.select %and3A, %sub3A_221, %div3A : i32
      %mul3A_222 = arith.constant 16 : i32
      %mul3A_223 = arith.muli %select_n3A, %mul3A_222 : i32
      %get3A_224 = arith.index_cast %mul3A_223 : i32 to index
      %get3A_225 = tpu.vector_load %arg9[%get3A_224] {strides = array<i32>} : memref<512xf32, #tpu.memory_space<vmem>>, vector<16xf32>,
      %get3A_226 = vector.shape_cast %get3A_225 : vector<16xf32> to vector<16xf32>
      %mul3A_227 = arith.constant 2 : i32
      %mul3A_228 = arith.muli %scan3A_203, %mul3A_227 : i32
      %add3A_229 = arith.constant 0 : i32
      %add3A_230 = arith.addi %mul3A_228, %add3A_229 : i32
      %mul3A_231 = arith.constant 16 : i32
      %mul3A_232 = arith.muli %select_n3A, %mul3A_231 : i32
      %sub3A_233 = arith.subi %add3A_230, %mul3A_232 : i32
      %reshape3A = vector.broadcast %sub3A_233 : i32 to vector<1x1xi32>
      %broadcast_in_dim3A = vector.shape_cast %reshape3A : vector<1x1xi32> to vector<1x1xi32>
      %broadcast_in_dim3A_234 = vector.broadcast %broadcast_in_dim3A : vector<1x1xi32> to vector<16x1xi32>
      %gather3A = vector.shape_cast %broadcast_in_dim3A_234 : vector<16x1xi32> to vector<16xi32>
      %gather3A_235 = tpu.dynamic_gather %get3A_226[%gather3A] in [0] : vector<16xf32>, vector<16xi32> -> vector<16xf32>
      %get3A_236 = arith.index_cast %add3A_230 : i32 to index
      %get3A_237 = arith.constant 0 : index
      %get3A_238 = tpu.vector_load %arg12[%get3A_236, %get3A_237] {strides = array<i32>} : memref<512x128xf32, #tpu.memory_space<vmem>>, vector<1x16xf32>,
      %get3A_239 = vector.shape_cast %get3A_238 : vector<1x16xf32> to vector<16xf32>
      %mul3A_240 = arith.mulf %gather3A_235, %get3A_27 : vector<16xf32>
      %add3A_241 = arith.addf %mul3A_240, %add3A_54 : vector<16xf32>
      %mul3A_242 = arith.mulf %get3A_239, %add3A_241 : vector<16xf32>
      %swap3A = arith.index_cast %add3A_230 : i32 to index
      %swap3A_243 = arith.constant 0 : index
      %swap3A_244 = tpu.vector_load %arg12[%swap3A, %swap3A_243] {strides = array<i32>} : memref<512x128xf32, #tpu.memory_space<vmem>>, vector<1x16xf32>,
      %swap3A_245 = vector.shape_cast %swap3A_244 : vector<1x16xf32> to vector<16xf32>
      %swap3A_246 = vector.shape_cast %mul3A_242 : vector<16xf32> to vector<1x16xf32>
      tpu.vector_store %arg12[%swap3A, %swap3A_243], %swap3A_246 {strides = array<i32>} : memref<512x128xf32, #tpu.memory_space<vmem>>, vector<1x16xf32>,
      %get3A_247 = arith.index_cast %add3A_230 : i32 to index
      %get3A_248 = arith.constant 16 : index
      %get3A_249 = tpu.vector_load %arg12[%get3A_247, %get3A_248] {strides = array<i32>} : memref<512x128xf32, #tpu.memory_space<vmem>>, vector<1x16xf32>,
      %get3A_250 = vector.shape_cast %get3A_249 : vector<1x16xf32> to vector<16xf32>
      %mul3A_251 = arith.mulf %gather3A_235, %get3A_30 : vector<16xf32>
      %add3A_252 = arith.addf %mul3A_251, %add3A_60 : vector<16xf32>
      %mul3A_253 = arith.mulf %get3A_250, %add3A_252 : vector<16xf32>
      %swap3A_254 = arith.index_cast %add3A_230 : i32 to index
      %swap3A_255 = arith.constant 16 : index
      %swap3A_256 = tpu.vector_load %arg12[%swap3A_254, %swap3A_255] {strides = array<i32>} : memref<512x128xf32, #tpu.memory_space<vmem>>, vector<1x16xf32>,
      %swap3A_257 = vector.shape_cast %swap3A_256 : vector<1x16xf32> to vector<16xf32>
      %swap3A_258 = vector.shape_cast %mul3A_253 : vector<16xf32> to vector<1x16xf32>
      tpu.vector_store %arg12[%swap3A_254, %swap3A_255], %swap3A_258 {strides = array<i32>} : memref<512x128xf32, #tpu.memory_space<vmem>>, vector<1x16xf32>,
      %get3A_259 = arith.index_cast %add3A_230 : i32 to index
      %get3A_260 = arith.constant 32 : index
      %get3A_261 = tpu.vector_load %arg12[%get3A_259, %get3A_260] {strides = array<i32>} : memref<512x128xf32, #tpu.memory_space<vmem>>, vector<1x16xf32>,
      %get3A_262 = vector.shape_cast %get3A_261 : vector<1x16xf32> to vector<16xf32>
      %mul3A_263 = arith.mulf %gather3A_235, %get3A_33 : vector<16xf32>
      %add3A_264 = arith.addf %mul3A_263, %add3A_66 : vector<16xf32>
      %mul3A_265 = arith.mulf %get3A_262, %add3A_264 : vector<16xf32>
      %swap3A_266 = arith.index_cast %add3A_230 : i32 to index
      %swap3A_267 = arith.constant 32 : index
      %swap3A_268 = tpu.vector_load %arg12[%swap3A_266, %swap3A_267] {strides = array<i32>} : memref<512x128xf32, #tpu.memory_space<vmem>>, vector<1x16xf32>,
      %swap3A_269 = vector.shape_cast %swap3A_268 : vector<1x16xf32> to vector<16xf32>
      %swap3A_270 = vector.shape_cast %mul3A_265 : vector<16xf32> to vector<1x16xf32>
      tpu.vector_store %arg12[%swap3A_266, %swap3A_267], %swap3A_270 {strides = array<i32>} : memref<512x128xf32, #tpu.memory_space<vmem>>, vector<1x16xf32>,
      %get3A_271 = arith.index_cast %add3A_230 : i32 to index
      %get3A_272 = arith.constant 48 : index
      %get3A_273 = tpu.vector_load %arg12[%get3A_271, %get3A_272] {strides = array<i32>} : memref<512x128xf32, #tpu.memory_space<vmem>>, vector<1x16xf32>,
      %get3A_274 = vector.shape_cast %get3A_273 : vector<1x16xf32> to vector<16xf32>
      %mul3A_275 = arith.mulf %gather3A_235, %get3A_36 : vector<16xf32>
      %add3A_276 = arith.addf %mul3A_275, %add3A_72 : vector<16xf32>
      %mul3A_277 = arith.mulf %get3A_274, %add3A_276 : vector<16xf32>
      %swap3A_278 = arith.index_cast %add3A_230 : i32 to index
      %swap3A_279 = arith.constant 48 : index
      %swap3A_280 = tpu.vector_load %arg12[%swap3A_278, %swap3A_279] {strides = array<i32>} : memref<512x128xf32, #tpu.memory_space<vmem>>, vector<1x16xf32>,
      %swap3A_281 = vector.shape_cast %swap3A_280 : vector<1x16xf32> to vector<16xf32>
      %swap3A_282 = vector.shape_cast %mul3A_277 : vector<16xf32> to vector<1x16xf32>
      tpu.vector_store %arg12[%swap3A_278, %swap3A_279], %swap3A_282 {strides = array<i32>} : memref<512x128xf32, #tpu.memory_space<vmem>>, vector<1x16xf32>,
      %get3A_283 = arith.index_cast %add3A_230 : i32 to index
      %get3A_284 = arith.constant 64 : index
      %get3A_285 = tpu.vector_load %arg12[%get3A_283, %get3A_284] {strides = array<i32>} : memref<512x128xf32, #tpu.memory_space<vmem>>, vector<1x16xf32>,
      %get3A_286 = vector.shape_cast %get3A_285 : vector<1x16xf32> to vector<16xf32>
      %mul3A_287 = arith.mulf %gather3A_235, %get3A_39 : vector<16xf32>
      %add3A_288 = arith.addf %mul3A_287, %add3A_78 : vector<16xf32>
      %mul3A_289 = arith.mulf %get3A_286, %add3A_288 : vector<16xf32>
      %swap3A_290 = arith.index_cast %add3A_230 : i32 to index
      %swap3A_291 = arith.constant 64 : index
      %swap3A_292 = tpu.vector_load %arg12[%swap3A_290, %swap3A_291] {strides = array<i32>} : memref<512x128xf32, #tpu.memory_space<vmem>>, vector<1x16xf32>,
      %swap3A_293 = vector.shape_cast %swap3A_292 : vector<1x16xf32> to vector<16xf32>
      %swap3A_294 = vector.shape_cast %mul3A_289 : vector<16xf32> to vector<1x16xf32>
      tpu.vector_store %arg12[%swap3A_290, %swap3A_291], %swap3A_294 {strides = array<i32>} : memref<512x128xf32, #tpu.memory_space<vmem>>, vector<1x16xf32>,
      %get3A_295 = arith.index_cast %add3A_230 : i32 to index
      %get3A_296 = arith.constant 80 : index
      %get3A_297 = tpu.vector_load %arg12[%get3A_295, %get3A_296] {strides = array<i32>} : memref<512x128xf32, #tpu.memory_space<vmem>>, vector<1x16xf32>,
      %get3A_298 = vector.shape_cast %get3A_297 : vector<1x16xf32> to vector<16xf32>
      %mul3A_299 = arith.mulf %gather3A_235, %get3A_42 : vector<16xf32>
      %add3A_300 = arith.addf %mul3A_299, %add3A_84 : vector<16xf32>
      %mul3A_301 = arith.mulf %get3A_298, %add3A_300 : vector<16xf32>
      %swap3A_302 = arith.index_cast %add3A_230 : i32 to index
      %swap3A_303 = arith.constant 80 : index
      %swap3A_304 = tpu.vector_load %arg12[%swap3A_302, %swap3A_303] {strides = array<i32>} : memref<512x128xf32, #tpu.memory_space<vmem>>, vector<1x16xf32>,
      %swap3A_305 = vector.shape_cast %swap3A_304 : vector<1x16xf32> to vector<16xf32>
      %swap3A_306 = vector.shape_cast %mul3A_301 : vector<16xf32> to vector<1x16xf32>
      tpu.vector_store %arg12[%swap3A_302, %swap3A_303], %swap3A_306 {strides = array<i32>} : memref<512x128xf32, #tpu.memory_space<vmem>>, vector<1x16xf32>,
      %get3A_307 = arith.index_cast %add3A_230 : i32 to index
      %get3A_308 = arith.constant 96 : index
      %get3A_309 = tpu.vector_load %arg12[%get3A_307, %get3A_308] {strides = array<i32>} : memref<512x128xf32, #tpu.memory_space<vmem>>, vector<1x16xf32>,
      %get3A_310 = vector.shape_cast %get3A_309 : vector<1x16xf32> to vector<16xf32>
      %mul3A_311 = arith.mulf %gather3A_235, %get3A_45 : vector<16xf32>
      %add3A_312 = arith.addf %mul3A_311, %add3A_90 : vector<16xf32>
      %mul3A_313 = arith.mulf %get3A_310, %add3A_312 : vector<16xf32>
      %swap3A_314 = arith.index_cast %add3A_230 : i32 to index
      %swap3A_315 = arith.constant 96 : index
      %swap3A_316 = tpu.vector_load %arg12[%swap3A_314, %swap3A_315] {strides = array<i32>} : memref<512x128xf32, #tpu.memory_space<vmem>>, vector<1x16xf32>,
      %swap3A_317 = vector.shape_cast %swap3A_316 : vector<1x16xf32> to vector<16xf32>
      %swap3A_318 = vector.shape_cast %mul3A_313 : vector<16xf32> to vector<1x16xf32>
      tpu.vector_store %arg12[%swap3A_314, %swap3A_315], %swap3A_318 {strides = array<i32>} : memref<512x128xf32, #tpu.memory_space<vmem>>, vector<1x16xf32>,
      %get3A_319 = arith.index_cast %add3A_230 : i32 to index
      %get3A_320 = arith.constant 112 : index
      %get3A_321 = tpu.vector_load %arg12[%get3A_319, %get3A_320] {strides = array<i32>} : memref<512x128xf32, #tpu.memory_space<vmem>>, vector<1x16xf32>,
      %get3A_322 = vector.shape_cast %get3A_321 : vector<1x16xf32> to vector<16xf32>
      %mul3A_323 = arith.mulf %gather3A_235, %get3A_48 : vector<16xf32>
      %add3A_324 = arith.addf %mul3A_323, %add3A_96 : vector<16xf32>
      %mul3A_325 = arith.mulf %get3A_322, %add3A_324 : vector<16xf32>
      %swap3A_326 = arith.index_cast %add3A_230 : i32 to index
      %swap3A_327 = arith.constant 112 : index
      %swap3A_328 = tpu.vector_load %arg12[%swap3A_326, %swap3A_327] {strides = array<i32>} : memref<512x128xf32, #tpu.memory_space<vmem>>, vector<1x16xf32>,
      %swap3A_329 = vector.shape_cast %swap3A_328 : vector<1x16xf32> to vector<16xf32>
      %swap3A_330 = vector.shape_cast %mul3A_325 : vector<16xf32> to vector<1x16xf32>
      tpu.vector_store %arg12[%swap3A_326, %swap3A_327], %swap3A_330 {strides = array<i32>} : memref<512x128xf32, #tpu.memory_space<vmem>>, vector<1x16xf32>,
      %mul3A_331 = arith.constant 2 : i32
      %mul3A_332 = arith.muli %scan3A_203, %mul3A_331 : i32
      %add3A_333 = arith.constant 1 : i32
      %add3A_334 = arith.addi %mul3A_332, %add3A_333 : i32
      %mul3A_335 = arith.constant 16 : i32
      %mul3A_336 = arith.muli %select_n3A, %mul3A_335 : i32
      %sub3A_337 = arith.subi %add3A_334, %mul3A_336 : i32
      %reshape3A_338 = vector.broadcast %sub3A_337 : i32 to vector<1x1xi32>
      %broadcast_in_dim3A_339 = vector.shape_cast %reshape3A_338 : vector<1x1xi32> to vector<1x1xi32>
      %broadcast_in_dim3A_340 = vector.broadcast %broadcast_in_dim3A_339 : vector<1x1xi32> to vector<16x1xi32>
      %gather3A_341 = vector.shape_cast %broadcast_in_dim3A_340 : vector<16x1xi32> to vector<16xi32>
      %gather3A_342 = tpu.dynamic_gather %get3A_226[%gather3A_341] in [0] : vector<16xf32>, vector<16xi32> -> vector<16xf32>
      %get3A_343 = arith.index_cast %add3A_334 : i32 to index
      %get3A_344 = arith.constant 0 : index
      %get3A_345 = tpu.vector_load %arg12[%get3A_343, %get3A_344] {strides = array<i32>} : memref<512x128xf32, #tpu.memory_space<vmem>>, vector<1x16xf32>,
      %get3A_346 = vector.shape_cast %get3A_345 : vector<1x16xf32> to vector<16xf32>
      %mul3A_347 = arith.mulf %gather3A_342, %get3A_27 : vector<16xf32>
      %add3A_348 = arith.addf %mul3A_347, %add3A_54 : vector<16xf32>
      %mul3A_349 = arith.mulf %get3A_346, %add3A_348 : vector<16xf32>
      %swap3A_350 = arith.index_cast %add3A_334 : i32 to index
      %swap3A_351 = arith.constant 0 : index
      %swap3A_352 = tpu.vector_load %arg12[%swap3A_350, %swap3A_351] {strides = array<i32>} : memref<512x128xf32, #tpu.memory_space<vmem>>, vector<1x16xf32>,
      %swap3A_353 = vector.shape_cast %swap3A_352 : vector<1x16xf32> to vector<16xf32>
      %swap3A_354 = vector.shape_cast %mul3A_349 : vector<16xf32> to vector<1x16xf32>
      tpu.vector_store %arg12[%swap3A_350, %swap3A_351], %swap3A_354 {strides = array<i32>} : memref<512x128xf32, #tpu.memory_space<vmem>>, vector<1x16xf32>,
      %get3A_355 = arith.index_cast %add3A_334 : i32 to index
      %get3A_356 = arith.constant 16 : index
      %get3A_357 = tpu.vector_load %arg12[%get3A_355, %get3A_356] {strides = array<i32>} : memref<512x128xf32, #tpu.memory_space<vmem>>, vector<1x16xf32>,
      %get3A_358 = vector.shape_cast %get3A_357 : vector<1x16xf32> to vector<16xf32>
      %mul3A_359 = arith.mulf %gather3A_342, %get3A_30 : vector<16xf32>
      %add3A_360 = arith.addf %mul3A_359, %add3A_60 : vector<16xf32>
      %mul3A_361 = arith.mulf %get3A_358, %add3A_360 : vector<16xf32>
      %swap3A_362 = arith.index_cast %add3A_334 : i32 to index
      %swap3A_363 = arith.constant 16 : index
      %swap3A_364 = tpu.vector_load %arg12[%swap3A_362, %swap3A_363] {strides = array<i32>} : memref<512x128xf32, #tpu.memory_space<vmem>>, vector<1x16xf32>,
      %swap3A_365 = vector.shape_cast %swap3A_364 : vector<1x16xf32> to vector<16xf32>
      %swap3A_366 = vector.shape_cast %mul3A_361 : vector<16xf32> to vector<1x16xf32>
      tpu.vector_store %arg12[%swap3A_362, %swap3A_363], %swap3A_366 {strides = array<i32>} : memref<512x128xf32, #tpu.memory_space<vmem>>, vector<1x16xf32>,
      %get3A_367 = arith.index_cast %add3A_334 : i32 to index
      %get3A_368 = arith.constant 32 : index
      %get3A_369 = tpu.vector_load %arg12[%get3A_367, %get3A_368] {strides = array<i32>} : memref<512x128xf32, #tpu.memory_space<vmem>>, vector<1x16xf32>,
      %get3A_370 = vector.shape_cast %get3A_369 : vector<1x16xf32> to vector<16xf32>
      %mul3A_371 = arith.mulf %gather3A_342, %get3A_33 : vector<16xf32>
      %add3A_372 = arith.addf %mul3A_371, %add3A_66 : vector<16xf32>
      %mul3A_373 = arith.mulf %get3A_370, %add3A_372 : vector<16xf32>
      %swap3A_374 = arith.index_cast %add3A_334 : i32 to index
      %swap3A_375 = arith.constant 32 : index
      %swap3A_376 = tpu.vector_load %arg12[%swap3A_374, %swap3A_375] {strides = array<i32>} : memref<512x128xf32, #tpu.memory_space<vmem>>, vector<1x16xf32>,
      %swap3A_377 = vector.shape_cast %swap3A_376 : vector<1x16xf32> to vector<16xf32>
      %swap3A_378 = vector.shape_cast %mul3A_373 : vector<16xf32> to vector<1x16xf32>
      tpu.vector_store %arg12[%swap3A_374, %swap3A_375], %swap3A_378 {strides = array<i32>} : memref<512x128xf32, #tpu.memory_space<vmem>>, vector<1x16xf32>,
      %get3A_379 = arith.index_cast %add3A_334 : i32 to index
      %get3A_380 = arith.constant 48 : index
      %get3A_381 = tpu.vector_load %arg12[%get3A_379, %get3A_380] {strides = array<i32>} : memref<512x128xf32, #tpu.memory_space<vmem>>, vector<1x16xf32>,
      %get3A_382 = vector.shape_cast %get3A_381 : vector<1x16xf32> to vector<16xf32>
      %mul3A_383 = arith.mulf %gather3A_342, %get3A_36 : vector<16xf32>
      %add3A_384 = arith.addf %mul3A_383, %add3A_72 : vector<16xf32>
      %mul3A_385 = arith.mulf %get3A_382, %add3A_384 : vector<16xf32>
      %swap3A_386 = arith.index_cast %add3A_334 : i32 to index
      %swap3A_387 = arith.constant 48 : index
      %swap3A_388 = tpu.vector_load %arg12[%swap3A_386, %swap3A_387] {strides = array<i32>} : memref<512x128xf32, #tpu.memory_space<vmem>>, vector<1x16xf32>,
      %swap3A_389 = vector.shape_cast %swap3A_388 : vector<1x16xf32> to vector<16xf32>
      %swap3A_390 = vector.shape_cast %mul3A_385 : vector<16xf32> to vector<1x16xf32>
      tpu.vector_store %arg12[%swap3A_386, %swap3A_387], %swap3A_390 {strides = array<i32>} : memref<512x128xf32, #tpu.memory_space<vmem>>, vector<1x16xf32>,
      %get3A_391 = arith.index_cast %add3A_334 : i32 to index
      %get3A_392 = arith.constant 64 : index
      %get3A_393 = tpu.vector_load %arg12[%get3A_391, %get3A_392] {strides = array<i32>} : memref<512x128xf32, #tpu.memory_space<vmem>>, vector<1x16xf32>,
      %get3A_394 = vector.shape_cast %get3A_393 : vector<1x16xf32> to vector<16xf32>
      %mul3A_395 = arith.mulf %gather3A_342, %get3A_39 : vector<16xf32>
      %add3A_396 = arith.addf %mul3A_395, %add3A_78 : vector<16xf32>
      %mul3A_397 = arith.mulf %get3A_394, %add3A_396 : vector<16xf32>
      %swap3A_398 = arith.index_cast %add3A_334 : i32 to index
      %swap3A_399 = arith.constant 64 : index
      %swap3A_400 = tpu.vector_load %arg12[%swap3A_398, %swap3A_399] {strides = array<i32>} : memref<512x128xf32, #tpu.memory_space<vmem>>, vector<1x16xf32>,
      %swap3A_401 = vector.shape_cast %swap3A_400 : vector<1x16xf32> to vector<16xf32>
      %swap3A_402 = vector.shape_cast %mul3A_397 : vector<16xf32> to vector<1x16xf32>
      tpu.vector_store %arg12[%swap3A_398, %swap3A_399], %swap3A_402 {strides = array<i32>} : memref<512x128xf32, #tpu.memory_space<vmem>>, vector<1x16xf32>,
      %get3A_403 = arith.index_cast %add3A_334 : i32 to index
      %get3A_404 = arith.constant 80 : index
      %get3A_405 = tpu.vector_load %arg12[%get3A_403, %get3A_404] {strides = array<i32>} : memref<512x128xf32, #tpu.memory_space<vmem>>, vector<1x16xf32>,
      %get3A_406 = vector.shape_cast %get3A_405 : vector<1x16xf32> to vector<16xf32>
      %mul3A_407 = arith.mulf %gather3A_342, %get3A_42 : vector<16xf32>
      %add3A_408 = arith.addf %mul3A_407, %add3A_84 : vector<16xf32>
      %mul3A_409 = arith.mulf %get3A_406, %add3A_408 : vector<16xf32>
      %swap3A_410 = arith.index_cast %add3A_334 : i32 to index
      %swap3A_411 = arith.constant 80 : index
      %swap3A_412 = tpu.vector_load %arg12[%swap3A_410, %swap3A_411] {strides = array<i32>} : memref<512x128xf32, #tpu.memory_space<vmem>>, vector<1x16xf32>,
      %swap3A_413 = vector.shape_cast %swap3A_412 : vector<1x16xf32> to vector<16xf32>
      %swap3A_414 = vector.shape_cast %mul3A_409 : vector<16xf32> to vector<1x16xf32>
      tpu.vector_store %arg12[%swap3A_410, %swap3A_411], %swap3A_414 {strides = array<i32>} : memref<512x128xf32, #tpu.memory_space<vmem>>, vector<1x16xf32>,
      %get3A_415 = arith.index_cast %add3A_334 : i32 to index
      %get3A_416 = arith.constant 96 : index
      %get3A_417 = tpu.vector_load %arg12[%get3A_415, %get3A_416] {strides = array<i32>} : memref<512x128xf32, #tpu.memory_space<vmem>>, vector<1x16xf32>,
      %get3A_418 = vector.shape_cast %get3A_417 : vector<1x16xf32> to vector<16xf32>
      %mul3A_419 = arith.mulf %gather3A_342, %get3A_45 : vector<16xf32>
      %add3A_420 = arith.addf %mul3A_419, %add3A_90 : vector<16xf32>
      %mul3A_421 = arith.mulf %get3A_418, %add3A_420 : vector<16xf32>
      %swap3A_422 = arith.index_cast %add3A_334 : i32 to index
      %swap3A_423 = arith.constant 96 : index
      %swap3A_424 = tpu.vector_load %arg12[%swap3A_422, %swap3A_423] {strides = array<i32>} : memref<512x128xf32, #tpu.memory_space<vmem>>, vector<1x16xf32>,
      %swap3A_425 = vector.shape_cast %swap3A_424 : vector<1x16xf32> to vector<16xf32>
      %swap3A_426 = vector.shape_cast %mul3A_421 : vector<16xf32> to vector<1x16xf32>
      tpu.vector_store %arg12[%swap3A_422, %swap3A_423], %swap3A_426 {strides = array<i32>} : memref<512x128xf32, #tpu.memory_space<vmem>>, vector<1x16xf32>,
      %get3A_427 = arith.index_cast %add3A_334 : i32 to index
      %get3A_428 = arith.constant 112 : index
      %get3A_429 = tpu.vector_load %arg12[%get3A_427, %get3A_428] {strides = array<i32>} : memref<512x128xf32, #tpu.memory_space<vmem>>, vector<1x16xf32>,
      %get3A_430 = vector.shape_cast %get3A_429 : vector<1x16xf32> to vector<16xf32>
      %mul3A_431 = arith.mulf %gather3A_342, %get3A_48 : vector<16xf32>
      %add3A_432 = arith.addf %mul3A_431, %add3A_96 : vector<16xf32>
      %mul3A_433 = arith.mulf %get3A_430, %add3A_432 : vector<16xf32>
      %swap3A_434 = arith.index_cast %add3A_334 : i32 to index
      %swap3A_435 = arith.constant 112 : index
      %swap3A_436 = tpu.vector_load %arg12[%swap3A_434, %swap3A_435] {strides = array<i32>} : memref<512x128xf32, #tpu.memory_space<vmem>>, vector<1x16xf32>,
      %swap3A_437 = vector.shape_cast %swap3A_436 : vector<1x16xf32> to vector<16xf32>
      %swap3A_438 = vector.shape_cast %mul3A_433 : vector<16xf32> to vector<1x16xf32>
      tpu.vector_store %arg12[%swap3A_434, %swap3A_435], %swap3A_438 {strides = array<i32>} : memref<512x128xf32, #tpu.memory_space<vmem>>, vector<1x16xf32>,
    }
    %scan3A_108 = arith.constant 128 : i32
    %add3A_109 = arith.constant 0 : i32
    %add3A_110 = arith.addi %mul3A_2, %add3A_109 : i32
    %dma_start3A_111 = arith.constant 0 : i32
    %dma_start3A_112 = arith.constant 0 : i32
    %dma_start3A_113 = tpu.memref_slice %arg12[%dma_start3A_111, %dma_start3A_112] : memref<512x128xf32, #tpu.memory_space<vmem>> -> memref<256x128xf32, #tpu.memory_space<vmem>>
    %dma_start3A_114 = arith.constant 0 : i32
    %dma_start3A_115 = tpu.memref_slice %arg7[%add3A_110, %dma_start3A_114] : memref<16384x128xf32, #tpu.memory_space<hbm>> -> memref<256x128xf32, #tpu.memory_space<hbm>>
    %dma_start3A_116 = arith.constant 0 : i32
    %dma_start3A_117 = tpu.memref_slice %arg7[%add3A_110, %dma_start3A_116] : memref<16384x128xf32, #tpu.memory_space<hbm>> -> memref<256x128xf32, #tpu.memory_space<hbm>>
    %dma_start3A_118 = arith.constant 0 : i32
    %dma_start3A_119 = arith.constant 0 : i32
    %dma_start3A_120 = tpu.memref_slice %arg12[%dma_start3A_118, %dma_start3A_119] : memref<512x128xf32, #tpu.memory_space<vmem>> -> memref<256x128xf32, #tpu.memory_space<vmem>>
    tpu.enqueue_dma source(%dma_start3A_120 : memref<256x128xf32, #tpu.memory_space<vmem>>) target(%dma_start3A_117 : memref<256x128xf32, #tpu.memory_space<hbm>>) target_semaphore(%arg16 : memref<!tpu.dma_semaphore, #tpu.memory_space<semaphore_mem>>)
    %dma_wait3A_121 = arith.constant 256 : i32
    %dma_wait3A_122 = arith.constant 0 : i32
    %dma_wait3A_123 = tpu.memref_slice %arg12[%dma_wait3A_121, %dma_wait3A_122] : memref<512x128xf32, #tpu.memory_space<vmem>> -> memref<192x128xf32, #tpu.memory_space<vmem>>
    %dma_wait3A_124 = arith.constant 256 : i32
    %dma_wait3A_125 = tpu.memref_slice %arg8[%dma_wait3A_124] : memref<512xi32, #tpu.memory_space<vmem>> -> memref<192xi32, #tpu.memory_space<vmem>>
    %dma_wait3A_126 = arith.constant 0 : i32
    %dma_wait3A_127 = arith.constant 0 : i32
    %dma_wait3A_128 = tpu.memref_slice %arg2[%dma_wait3A_126, %dma_wait3A_127] : memref<1000000x128xf32, #tpu.memory_space<hbm>> -> memref<1000000x128xf32, #tpu.memory_space<hbm>>
    tpu.wait_indirect_dma semaphore(%arg14 : memref<!tpu.dma_semaphore, #tpu.memory_space<semaphore_mem>>) src(%dma_wait3A_128 : memref<1000000x128xf32, #tpu.memory_space<hbm>>) dst(%dma_wait3A_123 : memref<192x128xf32, #tpu.memory_space<vmem>>)
    %scan3A_129 = arith.constant 0 : i32
    %scan3A_130 = arith.constant 128 : i32
    %scan3A_131 = arith.constant 96 : i32
    %scan3A_132 = arith.addi %scan3A_130, %scan3A_131 : i32
    %scan3A_133 = arith.constant 1 : i32
    scf.for %scan3A_203 = %scan3A_130 to %scan3A_132 step %scan3A_133  : i32 {
      %mul3A_204 = arith.constant 2 : i32
      %mul3A_205 = arith.muli %scan3A_203, %mul3A_204 : i32
      %jit3A = arith.constant 16 : i32
      %div3A = arith.divsi %mul3A_205, %jit3A : i32
      %sign3A = arith.constant 0 : i32
      %sign3A_206 = arith.cmpi sgt, %mul3A_205, %sign3A : i32
      %sign3A_207 = arith.extui %sign3A_206 : i1 to i32
      %sign3A_208 = arith.constant 0 : i32
      %sign3A_209 = arith.cmpi slt, %mul3A_205, %sign3A_208 : i32
      %sign3A_210 = arith.extui %sign3A_209 : i1 to i32
      %sign3A_211 = arith.subi %sign3A_207, %sign3A_210 : i32
      %sign3A_212 = arith.constant 0 : i32
      %sign3A_213 = arith.cmpi sgt, %jit3A, %sign3A_212 : i32
      %sign3A_214 = arith.extui %sign3A_213 : i1 to i32
      %sign3A_215 = arith.constant 0 : i32
      %sign3A_216 = arith.cmpi slt, %jit3A, %sign3A_215 : i32
      %sign3A_217 = arith.extui %sign3A_216 : i1 to i32
      %sign3A_218 = arith.subi %sign3A_214, %sign3A_217 : i32
      %ne3A = arith.cmpi ne, %sign3A_211, %sign3A_218 : i32
      %rem3A = arith.remsi %mul3A_205, %jit3A : i32
      %ne3A_219 = arith.constant 0 : i32
      %ne3A_220 = arith.cmpi ne, %rem3A, %ne3A_219 : i32
      %and3A = arith.andi %ne3A, %ne3A_220 : i1
      %sub3A = arith.constant 1 : i32
      %sub3A_221 = arith.subi %div3A, %sub3A : i32
      %select_n3A = arith.select %and3A, %sub3A_221, %div3A : i32
      %mul3A_222 = arith.constant 16 : i32
      %mul3A_223 = arith.muli %select_n3A, %mul3A_222 : i32
      %get3A_224 = arith.index_cast %mul3A_223 : i32 to index
      %get3A_225 = tpu.vector_load %arg9[%get3A_224] {strides = array<i32>} : memref<512xf32, #tpu.memory_space<vmem>>, vector<16xf32>,
      %get3A_226 = vector.shape_cast %get3A_225 : vector<16xf32> to vector<16xf32>
      %mul3A_227 = arith.constant 2 : i32
      %mul3A_228 = arith.muli %scan3A_203, %mul3A_227 : i32
      %add3A_229 = arith.constant 0 : i32
      %add3A_230 = arith.addi %mul3A_228, %add3A_229 : i32
      %mul3A_231 = arith.constant 16 : i32
      %mul3A_232 = arith.muli %select_n3A, %mul3A_231 : i32
      %sub3A_233 = arith.subi %add3A_230, %mul3A_232 : i32
      %reshape3A = vector.broadcast %sub3A_233 : i32 to vector<1x1xi32>
      %broadcast_in_dim3A = vector.shape_cast %reshape3A : vector<1x1xi32> to vector<1x1xi32>
      %broadcast_in_dim3A_234 = vector.broadcast %broadcast_in_dim3A : vector<1x1xi32> to vector<16x1xi32>
      %gather3A = vector.shape_cast %broadcast_in_dim3A_234 : vector<16x1xi32> to vector<16xi32>
      %gather3A_235 = tpu.dynamic_gather %get3A_226[%gather3A] in [0] : vector<16xf32>, vector<16xi32> -> vector<16xf32>
      %get3A_236 = arith.index_cast %add3A_230 : i32 to index
      %get3A_237 = arith.constant 0 : index
      %get3A_238 = tpu.vector_load %arg12[%get3A_236, %get3A_237] {strides = array<i32>} : memref<512x128xf32, #tpu.memory_space<vmem>>, vector<1x16xf32>,
      %get3A_239 = vector.shape_cast %get3A_238 : vector<1x16xf32> to vector<16xf32>
      %mul3A_240 = arith.mulf %gather3A_235, %get3A_27 : vector<16xf32>
      %add3A_241 = arith.addf %mul3A_240, %add3A_54 : vector<16xf32>
      %mul3A_242 = arith.mulf %get3A_239, %add3A_241 : vector<16xf32>
      %swap3A = arith.index_cast %add3A_230 : i32 to index
      %swap3A_243 = arith.constant 0 : index
      %swap3A_244 = tpu.vector_load %arg12[%swap3A, %swap3A_243] {strides = array<i32>} : memref<512x128xf32, #tpu.memory_space<vmem>>, vector<1x16xf32>,
      %swap3A_245 = vector.shape_cast %swap3A_244 : vector<1x16xf32> to vector<16xf32>
      %swap3A_246 = vector.shape_cast %mul3A_242 : vector<16xf32> to vector<1x16xf32>
      tpu.vector_store %arg12[%swap3A, %swap3A_243], %swap3A_246 {strides = array<i32>} : memref<512x128xf32, #tpu.memory_space<vmem>>, vector<1x16xf32>,
      %get3A_247 = arith.index_cast %add3A_230 : i32 to index
      %get3A_248 = arith.constant 16 : index
      %get3A_249 = tpu.vector_load %arg12[%get3A_247, %get3A_248] {strides = array<i32>} : memref<512x128xf32, #tpu.memory_space<vmem>>, vector<1x16xf32>,
      %get3A_250 = vector.shape_cast %get3A_249 : vector<1x16xf32> to vector<16xf32>
      %mul3A_251 = arith.mulf %gather3A_235, %get3A_30 : vector<16xf32>
      %add3A_252 = arith.addf %mul3A_251, %add3A_60 : vector<16xf32>
      %mul3A_253 = arith.mulf %get3A_250, %add3A_252 : vector<16xf32>
      %swap3A_254 = arith.index_cast %add3A_230 : i32 to index
      %swap3A_255 = arith.constant 16 : index
      %swap3A_256 = tpu.vector_load %arg12[%swap3A_254, %swap3A_255] {strides = array<i32>} : memref<512x128xf32, #tpu.memory_space<vmem>>, vector<1x16xf32>,
      %swap3A_257 = vector.shape_cast %swap3A_256 : vector<1x16xf32> to vector<16xf32>
      %swap3A_258 = vector.shape_cast %mul3A_253 : vector<16xf32> to vector<1x16xf32>
      tpu.vector_store %arg12[%swap3A_254, %swap3A_255], %swap3A_258 {strides = array<i32>} : memref<512x128xf32, #tpu.memory_space<vmem>>, vector<1x16xf32>,
      %get3A_259 = arith.index_cast %add3A_230 : i32 to index
      %get3A_260 = arith.constant 32 : index
      %get3A_261 = tpu.vector_load %arg12[%get3A_259, %get3A_260] {strides = array<i32>} : memref<512x128xf32, #tpu.memory_space<vmem>>, vector<1x16xf32>,
      %get3A_262 = vector.shape_cast %get3A_261 : vector<1x16xf32> to vector<16xf32>
      %mul3A_263 = arith.mulf %gather3A_235, %get3A_33 : vector<16xf32>
      %add3A_264 = arith.addf %mul3A_263, %add3A_66 : vector<16xf32>
      %mul3A_265 = arith.mulf %get3A_262, %add3A_264 : vector<16xf32>
      %swap3A_266 = arith.index_cast %add3A_230 : i32 to index
      %swap3A_267 = arith.constant 32 : index
      %swap3A_268 = tpu.vector_load %arg12[%swap3A_266, %swap3A_267] {strides = array<i32>} : memref<512x128xf32, #tpu.memory_space<vmem>>, vector<1x16xf32>,
      %swap3A_269 = vector.shape_cast %swap3A_268 : vector<1x16xf32> to vector<16xf32>
      %swap3A_270 = vector.shape_cast %mul3A_265 : vector<16xf32> to vector<1x16xf32>
      tpu.vector_store %arg12[%swap3A_266, %swap3A_267], %swap3A_270 {strides = array<i32>} : memref<512x128xf32, #tpu.memory_space<vmem>>, vector<1x16xf32>,
      %get3A_271 = arith.index_cast %add3A_230 : i32 to index
      %get3A_272 = arith.constant 48 : index
      %get3A_273 = tpu.vector_load %arg12[%get3A_271, %get3A_272] {strides = array<i32>} : memref<512x128xf32, #tpu.memory_space<vmem>>, vector<1x16xf32>,
      %get3A_274 = vector.shape_cast %get3A_273 : vector<1x16xf32> to vector<16xf32>
      %mul3A_275 = arith.mulf %gather3A_235, %get3A_36 : vector<16xf32>
      %add3A_276 = arith.addf %mul3A_275, %add3A_72 : vector<16xf32>
      %mul3A_277 = arith.mulf %get3A_274, %add3A_276 : vector<16xf32>
      %swap3A_278 = arith.index_cast %add3A_230 : i32 to index
      %swap3A_279 = arith.constant 48 : index
      %swap3A_280 = tpu.vector_load %arg12[%swap3A_278, %swap3A_279] {strides = array<i32>} : memref<512x128xf32, #tpu.memory_space<vmem>>, vector<1x16xf32>,
      %swap3A_281 = vector.shape_cast %swap3A_280 : vector<1x16xf32> to vector<16xf32>
      %swap3A_282 = vector.shape_cast %mul3A_277 : vector<16xf32> to vector<1x16xf32>
      tpu.vector_store %arg12[%swap3A_278, %swap3A_279], %swap3A_282 {strides = array<i32>} : memref<512x128xf32, #tpu.memory_space<vmem>>, vector<1x16xf32>,
      %get3A_283 = arith.index_cast %add3A_230 : i32 to index
      %get3A_284 = arith.constant 64 : index
      %get3A_285 = tpu.vector_load %arg12[%get3A_283, %get3A_284] {strides = array<i32>} : memref<512x128xf32, #tpu.memory_space<vmem>>, vector<1x16xf32>,
      %get3A_286 = vector.shape_cast %get3A_285 : vector<1x16xf32> to vector<16xf32>
      %mul3A_287 = arith.mulf %gather3A_235, %get3A_39 : vector<16xf32>
      %add3A_288 = arith.addf %mul3A_287, %add3A_78 : vector<16xf32>
      %mul3A_289 = arith.mulf %get3A_286, %add3A_288 : vector<16xf32>
      %swap3A_290 = arith.index_cast %add3A_230 : i32 to index
      %swap3A_291 = arith.constant 64 : index
      %swap3A_292 = tpu.vector_load %arg12[%swap3A_290, %swap3A_291] {strides = array<i32>} : memref<512x128xf32, #tpu.memory_space<vmem>>, vector<1x16xf32>,
      %swap3A_293 = vector.shape_cast %swap3A_292 : vector<1x16xf32> to vector<16xf32>
      %swap3A_294 = vector.shape_cast %mul3A_289 : vector<16xf32> to vector<1x16xf32>
      tpu.vector_store %arg12[%swap3A_290, %swap3A_291], %swap3A_294 {strides = array<i32>} : memref<512x128xf32, #tpu.memory_space<vmem>>, vector<1x16xf32>,
      %get3A_295 = arith.index_cast %add3A_230 : i32 to index
      %get3A_296 = arith.constant 80 : index
      %get3A_297 = tpu.vector_load %arg12[%get3A_295, %get3A_296] {strides = array<i32>} : memref<512x128xf32, #tpu.memory_space<vmem>>, vector<1x16xf32>,
      %get3A_298 = vector.shape_cast %get3A_297 : vector<1x16xf32> to vector<16xf32>
      %mul3A_299 = arith.mulf %gather3A_235, %get3A_42 : vector<16xf32>
      %add3A_300 = arith.addf %mul3A_299, %add3A_84 : vector<16xf32>
      %mul3A_301 = arith.mulf %get3A_298, %add3A_300 : vector<16xf32>
      %swap3A_302 = arith.index_cast %add3A_230 : i32 to index
      %swap3A_303 = arith.constant 80 : index
      %swap3A_304 = tpu.vector_load %arg12[%swap3A_302, %swap3A_303] {strides = array<i32>} : memref<512x128xf32, #tpu.memory_space<vmem>>, vector<1x16xf32>,
      %swap3A_305 = vector.shape_cast %swap3A_304 : vector<1x16xf32> to vector<16xf32>
      %swap3A_306 = vector.shape_cast %mul3A_301 : vector<16xf32> to vector<1x16xf32>
      tpu.vector_store %arg12[%swap3A_302, %swap3A_303], %swap3A_306 {strides = array<i32>} : memref<512x128xf32, #tpu.memory_space<vmem>>, vector<1x16xf32>,
      %get3A_307 = arith.index_cast %add3A_230 : i32 to index
      %get3A_308 = arith.constant 96 : index
      %get3A_309 = tpu.vector_load %arg12[%get3A_307, %get3A_308] {strides = array<i32>} : memref<512x128xf32, #tpu.memory_space<vmem>>, vector<1x16xf32>,
      %get3A_310 = vector.shape_cast %get3A_309 : vector<1x16xf32> to vector<16xf32>
      %mul3A_311 = arith.mulf %gather3A_235, %get3A_45 : vector<16xf32>
      %add3A_312 = arith.addf %mul3A_311, %add3A_90 : vector<16xf32>
      %mul3A_313 = arith.mulf %get3A_310, %add3A_312 : vector<16xf32>
      %swap3A_314 = arith.index_cast %add3A_230 : i32 to index
      %swap3A_315 = arith.constant 96 : index
      %swap3A_316 = tpu.vector_load %arg12[%swap3A_314, %swap3A_315] {strides = array<i32>} : memref<512x128xf32, #tpu.memory_space<vmem>>, vector<1x16xf32>,
      %swap3A_317 = vector.shape_cast %swap3A_316 : vector<1x16xf32> to vector<16xf32>
      %swap3A_318 = vector.shape_cast %mul3A_313 : vector<16xf32> to vector<1x16xf32>
      tpu.vector_store %arg12[%swap3A_314, %swap3A_315], %swap3A_318 {strides = array<i32>} : memref<512x128xf32, #tpu.memory_space<vmem>>, vector<1x16xf32>,
      %get3A_319 = arith.index_cast %add3A_230 : i32 to index
      %get3A_320 = arith.constant 112 : index
      %get3A_321 = tpu.vector_load %arg12[%get3A_319, %get3A_320] {strides = array<i32>} : memref<512x128xf32, #tpu.memory_space<vmem>>, vector<1x16xf32>,
      %get3A_322 = vector.shape_cast %get3A_321 : vector<1x16xf32> to vector<16xf32>
      %mul3A_323 = arith.mulf %gather3A_235, %get3A_48 : vector<16xf32>
      %add3A_324 = arith.addf %mul3A_323, %add3A_96 : vector<16xf32>
      %mul3A_325 = arith.mulf %get3A_322, %add3A_324 : vector<16xf32>
      %swap3A_326 = arith.index_cast %add3A_230 : i32 to index
      %swap3A_327 = arith.constant 112 : index
      %swap3A_328 = tpu.vector_load %arg12[%swap3A_326, %swap3A_327] {strides = array<i32>} : memref<512x128xf32, #tpu.memory_space<vmem>>, vector<1x16xf32>,
      %swap3A_329 = vector.shape_cast %swap3A_328 : vector<1x16xf32> to vector<16xf32>
      %swap3A_330 = vector.shape_cast %mul3A_325 : vector<16xf32> to vector<1x16xf32>
      tpu.vector_store %arg12[%swap3A_326, %swap3A_327], %swap3A_330 {strides = array<i32>} : memref<512x128xf32, #tpu.memory_space<vmem>>, vector<1x16xf32>,
      %mul3A_331 = arith.constant 2 : i32
      %mul3A_332 = arith.muli %scan3A_203, %mul3A_331 : i32
      %add3A_333 = arith.constant 1 : i32
      %add3A_334 = arith.addi %mul3A_332, %add3A_333 : i32
      %mul3A_335 = arith.constant 16 : i32
      %mul3A_336 = arith.muli %select_n3A, %mul3A_335 : i32
      %sub3A_337 = arith.subi %add3A_334, %mul3A_336 : i32
      %reshape3A_338 = vector.broadcast %sub3A_337 : i32 to vector<1x1xi32>
      %broadcast_in_dim3A_339 = vector.shape_cast %reshape3A_338 : vector<1x1xi32> to vector<1x1xi32>
      %broadcast_in_dim3A_340 = vector.broadcast %broadcast_in_dim3A_339 : vector<1x1xi32> to vector<16x1xi32>
      %gather3A_341 = vector.shape_cast %broadcast_in_dim3A_340 : vector<16x1xi32> to vector<16xi32>
      %gather3A_342 = tpu.dynamic_gather %get3A_226[%gather3A_341] in [0] : vector<16xf32>, vector<16xi32> -> vector<16xf32>
      %get3A_343 = arith.index_cast %add3A_334 : i32 to index
      %get3A_344 = arith.constant 0 : index
      %get3A_345 = tpu.vector_load %arg12[%get3A_343, %get3A_344] {strides = array<i32>} : memref<512x128xf32, #tpu.memory_space<vmem>>, vector<1x16xf32>,
      %get3A_346 = vector.shape_cast %get3A_345 : vector<1x16xf32> to vector<16xf32>
      %mul3A_347 = arith.mulf %gather3A_342, %get3A_27 : vector<16xf32>
      %add3A_348 = arith.addf %mul3A_347, %add3A_54 : vector<16xf32>
      %mul3A_349 = arith.mulf %get3A_346, %add3A_348 : vector<16xf32>
      %swap3A_350 = arith.index_cast %add3A_334 : i32 to index
      %swap3A_351 = arith.constant 0 : index
      %swap3A_352 = tpu.vector_load %arg12[%swap3A_350, %swap3A_351] {strides = array<i32>} : memref<512x128xf32, #tpu.memory_space<vmem>>, vector<1x16xf32>,
      %swap3A_353 = vector.shape_cast %swap3A_352 : vector<1x16xf32> to vector<16xf32>
      %swap3A_354 = vector.shape_cast %mul3A_349 : vector<16xf32> to vector<1x16xf32>
      tpu.vector_store %arg12[%swap3A_350, %swap3A_351], %swap3A_354 {strides = array<i32>} : memref<512x128xf32, #tpu.memory_space<vmem>>, vector<1x16xf32>,
      %get3A_355 = arith.index_cast %add3A_334 : i32 to index
      %get3A_356 = arith.constant 16 : index
      %get3A_357 = tpu.vector_load %arg12[%get3A_355, %get3A_356] {strides = array<i32>} : memref<512x128xf32, #tpu.memory_space<vmem>>, vector<1x16xf32>,
      %get3A_358 = vector.shape_cast %get3A_357 : vector<1x16xf32> to vector<16xf32>
      %mul3A_359 = arith.mulf %gather3A_342, %get3A_30 : vector<16xf32>
      %add3A_360 = arith.addf %mul3A_359, %add3A_60 : vector<16xf32>
      %mul3A_361 = arith.mulf %get3A_358, %add3A_360 : vector<16xf32>
      %swap3A_362 = arith.index_cast %add3A_334 : i32 to index
      %swap3A_363 = arith.constant 16 : index
      %swap3A_364 = tpu.vector_load %arg12[%swap3A_362, %swap3A_363] {strides = array<i32>} : memref<512x128xf32, #tpu.memory_space<vmem>>, vector<1x16xf32>,
      %swap3A_365 = vector.shape_cast %swap3A_364 : vector<1x16xf32> to vector<16xf32>
      %swap3A_366 = vector.shape_cast %mul3A_361 : vector<16xf32> to vector<1x16xf32>
      tpu.vector_store %arg12[%swap3A_362, %swap3A_363], %swap3A_366 {strides = array<i32>} : memref<512x128xf32, #tpu.memory_space<vmem>>, vector<1x16xf32>,
      %get3A_367 = arith.index_cast %add3A_334 : i32 to index
      %get3A_368 = arith.constant 32 : index
      %get3A_369 = tpu.vector_load %arg12[%get3A_367, %get3A_368] {strides = array<i32>} : memref<512x128xf32, #tpu.memory_space<vmem>>, vector<1x16xf32>,
      %get3A_370 = vector.shape_cast %get3A_369 : vector<1x16xf32> to vector<16xf32>
      %mul3A_371 = arith.mulf %gather3A_342, %get3A_33 : vector<16xf32>
      %add3A_372 = arith.addf %mul3A_371, %add3A_66 : vector<16xf32>
      %mul3A_373 = arith.mulf %get3A_370, %add3A_372 : vector<16xf32>
      %swap3A_374 = arith.index_cast %add3A_334 : i32 to index
      %swap3A_375 = arith.constant 32 : index
      %swap3A_376 = tpu.vector_load %arg12[%swap3A_374, %swap3A_375] {strides = array<i32>} : memref<512x128xf32, #tpu.memory_space<vmem>>, vector<1x16xf32>,
      %swap3A_377 = vector.shape_cast %swap3A_376 : vector<1x16xf32> to vector<16xf32>
      %swap3A_378 = vector.shape_cast %mul3A_373 : vector<16xf32> to vector<1x16xf32>
      tpu.vector_store %arg12[%swap3A_374, %swap3A_375], %swap3A_378 {strides = array<i32>} : memref<512x128xf32, #tpu.memory_space<vmem>>, vector<1x16xf32>,
      %get3A_379 = arith.index_cast %add3A_334 : i32 to index
      %get3A_380 = arith.constant 48 : index
      %get3A_381 = tpu.vector_load %arg12[%get3A_379, %get3A_380] {strides = array<i32>} : memref<512x128xf32, #tpu.memory_space<vmem>>, vector<1x16xf32>,
      %get3A_382 = vector.shape_cast %get3A_381 : vector<1x16xf32> to vector<16xf32>
      %mul3A_383 = arith.mulf %gather3A_342, %get3A_36 : vector<16xf32>
      %add3A_384 = arith.addf %mul3A_383, %add3A_72 : vector<16xf32>
      %mul3A_385 = arith.mulf %get3A_382, %add3A_384 : vector<16xf32>
      %swap3A_386 = arith.index_cast %add3A_334 : i32 to index
      %swap3A_387 = arith.constant 48 : index
      %swap3A_388 = tpu.vector_load %arg12[%swap3A_386, %swap3A_387] {strides = array<i32>} : memref<512x128xf32, #tpu.memory_space<vmem>>, vector<1x16xf32>,
      %swap3A_389 = vector.shape_cast %swap3A_388 : vector<1x16xf32> to vector<16xf32>
      %swap3A_390 = vector.shape_cast %mul3A_385 : vector<16xf32> to vector<1x16xf32>
      tpu.vector_store %arg12[%swap3A_386, %swap3A_387], %swap3A_390 {strides = array<i32>} : memref<512x128xf32, #tpu.memory_space<vmem>>, vector<1x16xf32>,
      %get3A_391 = arith.index_cast %add3A_334 : i32 to index
      %get3A_392 = arith.constant 64 : index
      %get3A_393 = tpu.vector_load %arg12[%get3A_391, %get3A_392] {strides = array<i32>} : memref<512x128xf32, #tpu.memory_space<vmem>>, vector<1x16xf32>,
      %get3A_394 = vector.shape_cast %get3A_393 : vector<1x16xf32> to vector<16xf32>
      %mul3A_395 = arith.mulf %gather3A_342, %get3A_39 : vector<16xf32>
      %add3A_396 = arith.addf %mul3A_395, %add3A_78 : vector<16xf32>
      %mul3A_397 = arith.mulf %get3A_394, %add3A_396 : vector<16xf32>
      %swap3A_398 = arith.index_cast %add3A_334 : i32 to index
      %swap3A_399 = arith.constant 64 : index
      %swap3A_400 = tpu.vector_load %arg12[%swap3A_398, %swap3A_399] {strides = array<i32>} : memref<512x128xf32, #tpu.memory_space<vmem>>, vector<1x16xf32>,
      %swap3A_401 = vector.shape_cast %swap3A_400 : vector<1x16xf32> to vector<16xf32>
      %swap3A_402 = vector.shape_cast %mul3A_397 : vector<16xf32> to vector<1x16xf32>
      tpu.vector_store %arg12[%swap3A_398, %swap3A_399], %swap3A_402 {strides = array<i32>} : memref<512x128xf32, #tpu.memory_space<vmem>>, vector<1x16xf32>,
      %get3A_403 = arith.index_cast %add3A_334 : i32 to index
      %get3A_404 = arith.constant 80 : index
      %get3A_405 = tpu.vector_load %arg12[%get3A_403, %get3A_404] {strides = array<i32>} : memref<512x128xf32, #tpu.memory_space<vmem>>, vector<1x16xf32>,
      %get3A_406 = vector.shape_cast %get3A_405 : vector<1x16xf32> to vector<16xf32>
      %mul3A_407 = arith.mulf %gather3A_342, %get3A_42 : vector<16xf32>
      %add3A_408 = arith.addf %mul3A_407, %add3A_84 : vector<16xf32>
      %mul3A_409 = arith.mulf %get3A_406, %add3A_408 : vector<16xf32>
      %swap3A_410 = arith.index_cast %add3A_334 : i32 to index
      %swap3A_411 = arith.constant 80 : index
      %swap3A_412 = tpu.vector_load %arg12[%swap3A_410, %swap3A_411] {strides = array<i32>} : memref<512x128xf32, #tpu.memory_space<vmem>>, vector<1x16xf32>,
      %swap3A_413 = vector.shape_cast %swap3A_412 : vector<1x16xf32> to vector<16xf32>
      %swap3A_414 = vector.shape_cast %mul3A_409 : vector<16xf32> to vector<1x16xf32>
      tpu.vector_store %arg12[%swap3A_410, %swap3A_411], %swap3A_414 {strides = array<i32>} : memref<512x128xf32, #tpu.memory_space<vmem>>, vector<1x16xf32>,
      %get3A_415 = arith.index_cast %add3A_334 : i32 to index
      %get3A_416 = arith.constant 96 : index
      %get3A_417 = tpu.vector_load %arg12[%get3A_415, %get3A_416] {strides = array<i32>} : memref<512x128xf32, #tpu.memory_space<vmem>>, vector<1x16xf32>,
      %get3A_418 = vector.shape_cast %get3A_417 : vector<1x16xf32> to vector<16xf32>
      %mul3A_419 = arith.mulf %gather3A_342, %get3A_45 : vector<16xf32>
      %add3A_420 = arith.addf %mul3A_419, %add3A_90 : vector<16xf32>
      %mul3A_421 = arith.mulf %get3A_418, %add3A_420 : vector<16xf32>
      %swap3A_422 = arith.index_cast %add3A_334 : i32 to index
      %swap3A_423 = arith.constant 96 : index
      %swap3A_424 = tpu.vector_load %arg12[%swap3A_422, %swap3A_423] {strides = array<i32>} : memref<512x128xf32, #tpu.memory_space<vmem>>, vector<1x16xf32>,
      %swap3A_425 = vector.shape_cast %swap3A_424 : vector<1x16xf32> to vector<16xf32>
      %swap3A_426 = vector.shape_cast %mul3A_421 : vector<16xf32> to vector<1x16xf32>
      tpu.vector_store %arg12[%swap3A_422, %swap3A_423], %swap3A_426 {strides = array<i32>} : memref<512x128xf32, #tpu.memory_space<vmem>>, vector<1x16xf32>,
      %get3A_427 = arith.index_cast %add3A_334 : i32 to index
      %get3A_428 = arith.constant 112 : index
      %get3A_429 = tpu.vector_load %arg12[%get3A_427, %get3A_428] {strides = array<i32>} : memref<512x128xf32, #tpu.memory_space<vmem>>, vector<1x16xf32>,
      %get3A_430 = vector.shape_cast %get3A_429 : vector<1x16xf32> to vector<16xf32>
      %mul3A_431 = arith.mulf %gather3A_342, %get3A_48 : vector<16xf32>
      %add3A_432 = arith.addf %mul3A_431, %add3A_96 : vector<16xf32>
      %mul3A_433 = arith.mulf %get3A_430, %add3A_432 : vector<16xf32>
      %swap3A_434 = arith.index_cast %add3A_334 : i32 to index
      %swap3A_435 = arith.constant 112 : index
      %swap3A_436 = tpu.vector_load %arg12[%swap3A_434, %swap3A_435] {strides = array<i32>} : memref<512x128xf32, #tpu.memory_space<vmem>>, vector<1x16xf32>,
      %swap3A_437 = vector.shape_cast %swap3A_436 : vector<1x16xf32> to vector<16xf32>
      %swap3A_438 = vector.shape_cast %mul3A_433 : vector<16xf32> to vector<1x16xf32>
      tpu.vector_store %arg12[%swap3A_434, %swap3A_435], %swap3A_438 {strides = array<i32>} : memref<512x128xf32, #tpu.memory_space<vmem>>, vector<1x16xf32>,
    }
    %scan3A_134 = arith.constant 96 : i32
    %add3A_135 = arith.constant 256 : i32
    %add3A_136 = arith.addi %mul3A_2, %add3A_135 : i32
    %dma_start3A_137 = arith.constant 256 : i32
    %dma_start3A_138 = arith.constant 0 : i32
    %dma_start3A_139 = tpu.memref_slice %arg12[%dma_start3A_137, %dma_start3A_138] : memref<512x128xf32, #tpu.memory_space<vmem>> -> memref<192x128xf32, #tpu.memory_space<vmem>>
    %dma_start3A_140 = arith.constant 0 : i32
    %dma_start3A_141 = tpu.memref_slice %arg7[%add3A_136, %dma_start3A_140] : memref<16384x128xf32, #tpu.memory_space<hbm>> -> memref<192x128xf32, #tpu.memory_space<hbm>>
    %dma_start3A_142 = arith.constant 0 : i32
    %dma_start3A_143 = tpu.memref_slice %arg7[%add3A_136, %dma_start3A_142] : memref<16384x128xf32, #tpu.memory_space<hbm>> -> memref<192x128xf32, #tpu.memory_space<hbm>>
    %dma_start3A_144 = arith.constant 256 : i32
    %dma_start3A_145 = arith.constant 0 : i32
    %dma_start3A_146 = tpu.memref_slice %arg12[%dma_start3A_144, %dma_start3A_145] : memref<512x128xf32, #tpu.memory_space<vmem>> -> memref<192x128xf32, #tpu.memory_space<vmem>>
    tpu.enqueue_dma source(%dma_start3A_146 : memref<192x128xf32, #tpu.memory_space<vmem>>) target(%dma_start3A_143 : memref<192x128xf32, #tpu.memory_space<hbm>>) target_semaphore(%arg17 : memref<!tpu.dma_semaphore, #tpu.memory_space<semaphore_mem>>)
    %dma_wait3A_147 = arith.constant 448 : i32
    %dma_wait3A_148 = arith.constant 0 : i32
    %dma_wait3A_149 = tpu.memref_slice %arg12[%dma_wait3A_147, %dma_wait3A_148] : memref<512x128xf32, #tpu.memory_space<vmem>> -> memref<64x128xf32, #tpu.memory_space<vmem>>
    %dma_wait3A_150 = arith.constant 448 : i32
    %dma_wait3A_151 = tpu.memref_slice %arg8[%dma_wait3A_150] : memref<512xi32, #tpu.memory_space<vmem>> -> memref<64xi32, #tpu.memory_space<vmem>>
    %dma_wait3A_152 = arith.constant 0 : i32
    %dma_wait3A_153 = arith.constant 0 : i32
    %dma_wait3A_154 = tpu.memref_slice %arg2[%dma_wait3A_152, %dma_wait3A_153] : memref<1000000x128xf32, #tpu.memory_space<hbm>> -> memref<1000000x128xf32, #tpu.memory_space<hbm>>
    tpu.wait_indirect_dma semaphore(%arg15 : memref<!tpu.dma_semaphore, #tpu.memory_space<semaphore_mem>>) src(%dma_wait3A_154 : memref<1000000x128xf32, #tpu.memory_space<hbm>>) dst(%dma_wait3A_149 : memref<64x128xf32, #tpu.memory_space<vmem>>)
    %scan3A_155 = arith.constant 0 : i32
    %scan3A_156 = arith.constant 224 : i32
    %scan3A_157 = arith.constant 32 : i32
    %scan3A_158 = arith.addi %scan3A_156, %scan3A_157 : i32
    %scan3A_159 = arith.constant 1 : i32
    scf.for %scan3A_203 = %scan3A_156 to %scan3A_158 step %scan3A_159  : i32 {
      %mul3A_204 = arith.constant 2 : i32
      %mul3A_205 = arith.muli %scan3A_203, %mul3A_204 : i32
      %jit3A = arith.constant 16 : i32
      %div3A = arith.divsi %mul3A_205, %jit3A : i32
      %sign3A = arith.constant 0 : i32
      %sign3A_206 = arith.cmpi sgt, %mul3A_205, %sign3A : i32
      %sign3A_207 = arith.extui %sign3A_206 : i1 to i32
      %sign3A_208 = arith.constant 0 : i32
      %sign3A_209 = arith.cmpi slt, %mul3A_205, %sign3A_208 : i32
      %sign3A_210 = arith.extui %sign3A_209 : i1 to i32
      %sign3A_211 = arith.subi %sign3A_207, %sign3A_210 : i32
      %sign3A_212 = arith.constant 0 : i32
      %sign3A_213 = arith.cmpi sgt, %jit3A, %sign3A_212 : i32
      %sign3A_214 = arith.extui %sign3A_213 : i1 to i32
      %sign3A_215 = arith.constant 0 : i32
      %sign3A_216 = arith.cmpi slt, %jit3A, %sign3A_215 : i32
      %sign3A_217 = arith.extui %sign3A_216 : i1 to i32
      %sign3A_218 = arith.subi %sign3A_214, %sign3A_217 : i32
      %ne3A = arith.cmpi ne, %sign3A_211, %sign3A_218 : i32
      %rem3A = arith.remsi %mul3A_205, %jit3A : i32
      %ne3A_219 = arith.constant 0 : i32
      %ne3A_220 = arith.cmpi ne, %rem3A, %ne3A_219 : i32
      %and3A = arith.andi %ne3A, %ne3A_220 : i1
      %sub3A = arith.constant 1 : i32
      %sub3A_221 = arith.subi %div3A, %sub3A : i32
      %select_n3A = arith.select %and3A, %sub3A_221, %div3A : i32
      %mul3A_222 = arith.constant 16 : i32
      %mul3A_223 = arith.muli %select_n3A, %mul3A_222 : i32
      %get3A_224 = arith.index_cast %mul3A_223 : i32 to index
      %get3A_225 = tpu.vector_load %arg9[%get3A_224] {strides = array<i32>} : memref<512xf32, #tpu.memory_space<vmem>>, vector<16xf32>,
      %get3A_226 = vector.shape_cast %get3A_225 : vector<16xf32> to vector<16xf32>
      %mul3A_227 = arith.constant 2 : i32
      %mul3A_228 = arith.muli %scan3A_203, %mul3A_227 : i32
      %add3A_229 = arith.constant 0 : i32
      %add3A_230 = arith.addi %mul3A_228, %add3A_229 : i32
      %mul3A_231 = arith.constant 16 : i32
      %mul3A_232 = arith.muli %select_n3A, %mul3A_231 : i32
      %sub3A_233 = arith.subi %add3A_230, %mul3A_232 : i32
      %reshape3A = vector.broadcast %sub3A_233 : i32 to vector<1x1xi32>
      %broadcast_in_dim3A = vector.shape_cast %reshape3A : vector<1x1xi32> to vector<1x1xi32>
      %broadcast_in_dim3A_234 = vector.broadcast %broadcast_in_dim3A : vector<1x1xi32> to vector<16x1xi32>
      %gather3A = vector.shape_cast %broadcast_in_dim3A_234 : vector<16x1xi32> to vector<16xi32>
      %gather3A_235 = tpu.dynamic_gather %get3A_226[%gather3A] in [0] : vector<16xf32>, vector<16xi32> -> vector<16xf32>
      %get3A_236 = arith.index_cast %add3A_230 : i32 to index
      %get3A_237 = arith.constant 0 : index
      %get3A_238 = tpu.vector_load %arg12[%get3A_236, %get3A_237] {strides = array<i32>} : memref<512x128xf32, #tpu.memory_space<vmem>>, vector<1x16xf32>,
      %get3A_239 = vector.shape_cast %get3A_238 : vector<1x16xf32> to vector<16xf32>
      %mul3A_240 = arith.mulf %gather3A_235, %get3A_27 : vector<16xf32>
      %add3A_241 = arith.addf %mul3A_240, %add3A_54 : vector<16xf32>
      %mul3A_242 = arith.mulf %get3A_239, %add3A_241 : vector<16xf32>
      %swap3A = arith.index_cast %add3A_230 : i32 to index
      %swap3A_243 = arith.constant 0 : index
      %swap3A_244 = tpu.vector_load %arg12[%swap3A, %swap3A_243] {strides = array<i32>} : memref<512x128xf32, #tpu.memory_space<vmem>>, vector<1x16xf32>,
      %swap3A_245 = vector.shape_cast %swap3A_244 : vector<1x16xf32> to vector<16xf32>
      %swap3A_246 = vector.shape_cast %mul3A_242 : vector<16xf32> to vector<1x16xf32>
      tpu.vector_store %arg12[%swap3A, %swap3A_243], %swap3A_246 {strides = array<i32>} : memref<512x128xf32, #tpu.memory_space<vmem>>, vector<1x16xf32>,
      %get3A_247 = arith.index_cast %add3A_230 : i32 to index
      %get3A_248 = arith.constant 16 : index
      %get3A_249 = tpu.vector_load %arg12[%get3A_247, %get3A_248] {strides = array<i32>} : memref<512x128xf32, #tpu.memory_space<vmem>>, vector<1x16xf32>,
      %get3A_250 = vector.shape_cast %get3A_249 : vector<1x16xf32> to vector<16xf32>
      %mul3A_251 = arith.mulf %gather3A_235, %get3A_30 : vector<16xf32>
      %add3A_252 = arith.addf %mul3A_251, %add3A_60 : vector<16xf32>
      %mul3A_253 = arith.mulf %get3A_250, %add3A_252 : vector<16xf32>
      %swap3A_254 = arith.index_cast %add3A_230 : i32 to index
      %swap3A_255 = arith.constant 16 : index
      %swap3A_256 = tpu.vector_load %arg12[%swap3A_254, %swap3A_255] {strides = array<i32>} : memref<512x128xf32, #tpu.memory_space<vmem>>, vector<1x16xf32>,
      %swap3A_257 = vector.shape_cast %swap3A_256 : vector<1x16xf32> to vector<16xf32>
      %swap3A_258 = vector.shape_cast %mul3A_253 : vector<16xf32> to vector<1x16xf32>
      tpu.vector_store %arg12[%swap3A_254, %swap3A_255], %swap3A_258 {strides = array<i32>} : memref<512x128xf32, #tpu.memory_space<vmem>>, vector<1x16xf32>,
      %get3A_259 = arith.index_cast %add3A_230 : i32 to index
      %get3A_260 = arith.constant 32 : index
      %get3A_261 = tpu.vector_load %arg12[%get3A_259, %get3A_260] {strides = array<i32>} : memref<512x128xf32, #tpu.memory_space<vmem>>, vector<1x16xf32>,
      %get3A_262 = vector.shape_cast %get3A_261 : vector<1x16xf32> to vector<16xf32>
      %mul3A_263 = arith.mulf %gather3A_235, %get3A_33 : vector<16xf32>
      %add3A_264 = arith.addf %mul3A_263, %add3A_66 : vector<16xf32>
      %mul3A_265 = arith.mulf %get3A_262, %add3A_264 : vector<16xf32>
      %swap3A_266 = arith.index_cast %add3A_230 : i32 to index
      %swap3A_267 = arith.constant 32 : index
      %swap3A_268 = tpu.vector_load %arg12[%swap3A_266, %swap3A_267] {strides = array<i32>} : memref<512x128xf32, #tpu.memory_space<vmem>>, vector<1x16xf32>,
      %swap3A_269 = vector.shape_cast %swap3A_268 : vector<1x16xf32> to vector<16xf32>
      %swap3A_270 = vector.shape_cast %mul3A_265 : vector<16xf32> to vector<1x16xf32>
      tpu.vector_store %arg12[%swap3A_266, %swap3A_267], %swap3A_270 {strides = array<i32>} : memref<512x128xf32, #tpu.memory_space<vmem>>, vector<1x16xf32>,
      %get3A_271 = arith.index_cast %add3A_230 : i32 to index
      %get3A_272 = arith.constant 48 : index
      %get3A_273 = tpu.vector_load %arg12[%get3A_271, %get3A_272] {strides = array<i32>} : memref<512x128xf32, #tpu.memory_space<vmem>>, vector<1x16xf32>,
      %get3A_274 = vector.shape_cast %get3A_273 : vector<1x16xf32> to vector<16xf32>
      %mul3A_275 = arith.mulf %gather3A_235, %get3A_36 : vector<16xf32>
      %add3A_276 = arith.addf %mul3A_275, %add3A_72 : vector<16xf32>
      %mul3A_277 = arith.mulf %get3A_274, %add3A_276 : vector<16xf32>
      %swap3A_278 = arith.index_cast %add3A_230 : i32 to index
      %swap3A_279 = arith.constant 48 : index
      %swap3A_280 = tpu.vector_load %arg12[%swap3A_278, %swap3A_279] {strides = array<i32>} : memref<512x128xf32, #tpu.memory_space<vmem>>, vector<1x16xf32>,
      %swap3A_281 = vector.shape_cast %swap3A_280 : vector<1x16xf32> to vector<16xf32>
      %swap3A_282 = vector.shape_cast %mul3A_277 : vector<16xf32> to vector<1x16xf32>
      tpu.vector_store %arg12[%swap3A_278, %swap3A_279], %swap3A_282 {strides = array<i32>} : memref<512x128xf32, #tpu.memory_space<vmem>>, vector<1x16xf32>,
      %get3A_283 = arith.index_cast %add3A_230 : i32 to index
      %get3A_284 = arith.constant 64 : index
      %get3A_285 = tpu.vector_load %arg12[%get3A_283, %get3A_284] {strides = array<i32>} : memref<512x128xf32, #tpu.memory_space<vmem>>, vector<1x16xf32>,
      %get3A_286 = vector.shape_cast %get3A_285 : vector<1x16xf32> to vector<16xf32>
      %mul3A_287 = arith.mulf %gather3A_235, %get3A_39 : vector<16xf32>
      %add3A_288 = arith.addf %mul3A_287, %add3A_78 : vector<16xf32>
      %mul3A_289 = arith.mulf %get3A_286, %add3A_288 : vector<16xf32>
      %swap3A_290 = arith.index_cast %add3A_230 : i32 to index
      %swap3A_291 = arith.constant 64 : index
      %swap3A_292 = tpu.vector_load %arg12[%swap3A_290, %swap3A_291] {strides = array<i32>} : memref<512x128xf32, #tpu.memory_space<vmem>>, vector<1x16xf32>,
      %swap3A_293 = vector.shape_cast %swap3A_292 : vector<1x16xf32> to vector<16xf32>
      %swap3A_294 = vector.shape_cast %mul3A_289 : vector<16xf32> to vector<1x16xf32>
      tpu.vector_store %arg12[%swap3A_290, %swap3A_291], %swap3A_294 {strides = array<i32>} : memref<512x128xf32, #tpu.memory_space<vmem>>, vector<1x16xf32>,
      %get3A_295 = arith.index_cast %add3A_230 : i32 to index
      %get3A_296 = arith.constant 80 : index
      %get3A_297 = tpu.vector_load %arg12[%get3A_295, %get3A_296] {strides = array<i32>} : memref<512x128xf32, #tpu.memory_space<vmem>>, vector<1x16xf32>,
      %get3A_298 = vector.shape_cast %get3A_297 : vector<1x16xf32> to vector<16xf32>
      %mul3A_299 = arith.mulf %gather3A_235, %get3A_42 : vector<16xf32>
      %add3A_300 = arith.addf %mul3A_299, %add3A_84 : vector<16xf32>
      %mul3A_301 = arith.mulf %get3A_298, %add3A_300 : vector<16xf32>
      %swap3A_302 = arith.index_cast %add3A_230 : i32 to index
      %swap3A_303 = arith.constant 80 : index
      %swap3A_304 = tpu.vector_load %arg12[%swap3A_302, %swap3A_303] {strides = array<i32>} : memref<512x128xf32, #tpu.memory_space<vmem>>, vector<1x16xf32>,
      %swap3A_305 = vector.shape_cast %swap3A_304 : vector<1x16xf32> to vector<16xf32>
      %swap3A_306 = vector.shape_cast %mul3A_301 : vector<16xf32> to vector<1x16xf32>
      tpu.vector_store %arg12[%swap3A_302, %swap3A_303], %swap3A_306 {strides = array<i32>} : memref<512x128xf32, #tpu.memory_space<vmem>>, vector<1x16xf32>,
      %get3A_307 = arith.index_cast %add3A_230 : i32 to index
      %get3A_308 = arith.constant 96 : index
      %get3A_309 = tpu.vector_load %arg12[%get3A_307, %get3A_308] {strides = array<i32>} : memref<512x128xf32, #tpu.memory_space<vmem>>, vector<1x16xf32>,
      %get3A_310 = vector.shape_cast %get3A_309 : vector<1x16xf32> to vector<16xf32>
      %mul3A_311 = arith.mulf %gather3A_235, %get3A_45 : vector<16xf32>
      %add3A_312 = arith.addf %mul3A_311, %add3A_90 : vector<16xf32>
      %mul3A_313 = arith.mulf %get3A_310, %add3A_312 : vector<16xf32>
      %swap3A_314 = arith.index_cast %add3A_230 : i32 to index
      %swap3A_315 = arith.constant 96 : index
      %swap3A_316 = tpu.vector_load %arg12[%swap3A_314, %swap3A_315] {strides = array<i32>} : memref<512x128xf32, #tpu.memory_space<vmem>>, vector<1x16xf32>,
      %swap3A_317 = vector.shape_cast %swap3A_316 : vector<1x16xf32> to vector<16xf32>
      %swap3A_318 = vector.shape_cast %mul3A_313 : vector<16xf32> to vector<1x16xf32>
      tpu.vector_store %arg12[%swap3A_314, %swap3A_315], %swap3A_318 {strides = array<i32>} : memref<512x128xf32, #tpu.memory_space<vmem>>, vector<1x16xf32>,
      %get3A_319 = arith.index_cast %add3A_230 : i32 to index
      %get3A_320 = arith.constant 112 : index
      %get3A_321 = tpu.vector_load %arg12[%get3A_319, %get3A_320] {strides = array<i32>} : memref<512x128xf32, #tpu.memory_space<vmem>>, vector<1x16xf32>,
      %get3A_322 = vector.shape_cast %get3A_321 : vector<1x16xf32> to vector<16xf32>
      %mul3A_323 = arith.mulf %gather3A_235, %get3A_48 : vector<16xf32>
      %add3A_324 = arith.addf %mul3A_323, %add3A_96 : vector<16xf32>
      %mul3A_325 = arith.mulf %get3A_322, %add3A_324 : vector<16xf32>
      %swap3A_326 = arith.index_cast %add3A_230 : i32 to index
      %swap3A_327 = arith.constant 112 : index
      %swap3A_328 = tpu.vector_load %arg12[%swap3A_326, %swap3A_327] {strides = array<i32>} : memref<512x128xf32, #tpu.memory_space<vmem>>, vector<1x16xf32>,
      %swap3A_329 = vector.shape_cast %swap3A_328 : vector<1x16xf32> to vector<16xf32>
      %swap3A_330 = vector.shape_cast %mul3A_325 : vector<16xf32> to vector<1x16xf32>
      tpu.vector_store %arg12[%swap3A_326, %swap3A_327], %swap3A_330 {strides = array<i32>} : memref<512x128xf32, #tpu.memory_space<vmem>>, vector<1x16xf32>,
      %mul3A_331 = arith.constant 2 : i32
      %mul3A_332 = arith.muli %scan3A_203, %mul3A_331 : i32
      %add3A_333 = arith.constant 1 : i32
      %add3A_334 = arith.addi %mul3A_332, %add3A_333 : i32
      %mul3A_335 = arith.constant 16 : i32
      %mul3A_336 = arith.muli %select_n3A, %mul3A_335 : i32
      %sub3A_337 = arith.subi %add3A_334, %mul3A_336 : i32
      %reshape3A_338 = vector.broadcast %sub3A_337 : i32 to vector<1x1xi32>
      %broadcast_in_dim3A_339 = vector.shape_cast %reshape3A_338 : vector<1x1xi32> to vector<1x1xi32>
      %broadcast_in_dim3A_340 = vector.broadcast %broadcast_in_dim3A_339 : vector<1x1xi32> to vector<16x1xi32>
      %gather3A_341 = vector.shape_cast %broadcast_in_dim3A_340 : vector<16x1xi32> to vector<16xi32>
      %gather3A_342 = tpu.dynamic_gather %get3A_226[%gather3A_341] in [0] : vector<16xf32>, vector<16xi32> -> vector<16xf32>
      %get3A_343 = arith.index_cast %add3A_334 : i32 to index
      %get3A_344 = arith.constant 0 : index
      %get3A_345 = tpu.vector_load %arg12[%get3A_343, %get3A_344] {strides = array<i32>} : memref<512x128xf32, #tpu.memory_space<vmem>>, vector<1x16xf32>,
      %get3A_346 = vector.shape_cast %get3A_345 : vector<1x16xf32> to vector<16xf32>
      %mul3A_347 = arith.mulf %gather3A_342, %get3A_27 : vector<16xf32>
      %add3A_348 = arith.addf %mul3A_347, %add3A_54 : vector<16xf32>
      %mul3A_349 = arith.mulf %get3A_346, %add3A_348 : vector<16xf32>
      %swap3A_350 = arith.index_cast %add3A_334 : i32 to index
      %swap3A_351 = arith.constant 0 : index
      %swap3A_352 = tpu.vector_load %arg12[%swap3A_350, %swap3A_351] {strides = array<i32>} : memref<512x128xf32, #tpu.memory_space<vmem>>, vector<1x16xf32>,
      %swap3A_353 = vector.shape_cast %swap3A_352 : vector<1x16xf32> to vector<16xf32>
      %swap3A_354 = vector.shape_cast %mul3A_349 : vector<16xf32> to vector<1x16xf32>
      tpu.vector_store %arg12[%swap3A_350, %swap3A_351], %swap3A_354 {strides = array<i32>} : memref<512x128xf32, #tpu.memory_space<vmem>>, vector<1x16xf32>,
      %get3A_355 = arith.index_cast %add3A_334 : i32 to index
      %get3A_356 = arith.constant 16 : index
      %get3A_357 = tpu.vector_load %arg12[%get3A_355, %get3A_356] {strides = array<i32>} : memref<512x128xf32, #tpu.memory_space<vmem>>, vector<1x16xf32>,
      %get3A_358 = vector.shape_cast %get3A_357 : vector<1x16xf32> to vector<16xf32>
      %mul3A_359 = arith.mulf %gather3A_342, %get3A_30 : vector<16xf32>
      %add3A_360 = arith.addf %mul3A_359, %add3A_60 : vector<16xf32>
      %mul3A_361 = arith.mulf %get3A_358, %add3A_360 : vector<16xf32>
      %swap3A_362 = arith.index_cast %add3A_334 : i32 to index
      %swap3A_363 = arith.constant 16 : index
      %swap3A_364 = tpu.vector_load %arg12[%swap3A_362, %swap3A_363] {strides = array<i32>} : memref<512x128xf32, #tpu.memory_space<vmem>>, vector<1x16xf32>,
      %swap3A_365 = vector.shape_cast %swap3A_364 : vector<1x16xf32> to vector<16xf32>
      %swap3A_366 = vector.shape_cast %mul3A_361 : vector<16xf32> to vector<1x16xf32>
      tpu.vector_store %arg12[%swap3A_362, %swap3A_363], %swap3A_366 {strides = array<i32>} : memref<512x128xf32, #tpu.memory_space<vmem>>, vector<1x16xf32>,
      %get3A_367 = arith.index_cast %add3A_334 : i32 to index
      %get3A_368 = arith.constant 32 : index
      %get3A_369 = tpu.vector_load %arg12[%get3A_367, %get3A_368] {strides = array<i32>} : memref<512x128xf32, #tpu.memory_space<vmem>>, vector<1x16xf32>,
      %get3A_370 = vector.shape_cast %get3A_369 : vector<1x16xf32> to vector<16xf32>
      %mul3A_371 = arith.mulf %gather3A_342, %get3A_33 : vector<16xf32>
      %add3A_372 = arith.addf %mul3A_371, %add3A_66 : vector<16xf32>
      %mul3A_373 = arith.mulf %get3A_370, %add3A_372 : vector<16xf32>
      %swap3A_374 = arith.index_cast %add3A_334 : i32 to index
      %swap3A_375 = arith.constant 32 : index
      %swap3A_376 = tpu.vector_load %arg12[%swap3A_374, %swap3A_375] {strides = array<i32>} : memref<512x128xf32, #tpu.memory_space<vmem>>, vector<1x16xf32>,
      %swap3A_377 = vector.shape_cast %swap3A_376 : vector<1x16xf32> to vector<16xf32>
      %swap3A_378 = vector.shape_cast %mul3A_373 : vector<16xf32> to vector<1x16xf32>
      tpu.vector_store %arg12[%swap3A_374, %swap3A_375], %swap3A_378 {strides = array<i32>} : memref<512x128xf32, #tpu.memory_space<vmem>>, vector<1x16xf32>,
      %get3A_379 = arith.index_cast %add3A_334 : i32 to index
      %get3A_380 = arith.constant 48 : index
      %get3A_381 = tpu.vector_load %arg12[%get3A_379, %get3A_380] {strides = array<i32>} : memref<512x128xf32, #tpu.memory_space<vmem>>, vector<1x16xf32>,
      %get3A_382 = vector.shape_cast %get3A_381 : vector<1x16xf32> to vector<16xf32>
      %mul3A_383 = arith.mulf %gather3A_342, %get3A_36 : vector<16xf32>
      %add3A_384 = arith.addf %mul3A_383, %add3A_72 : vector<16xf32>
      %mul3A_385 = arith.mulf %get3A_382, %add3A_384 : vector<16xf32>
      %swap3A_386 = arith.index_cast %add3A_334 : i32 to index
      %swap3A_387 = arith.constant 48 : index
      %swap3A_388 = tpu.vector_load %arg12[%swap3A_386, %swap3A_387] {strides = array<i32>} : memref<512x128xf32, #tpu.memory_space<vmem>>, vector<1x16xf32>,
      %swap3A_389 = vector.shape_cast %swap3A_388 : vector<1x16xf32> to vector<16xf32>
      %swap3A_390 = vector.shape_cast %mul3A_385 : vector<16xf32> to vector<1x16xf32>
      tpu.vector_store %arg12[%swap3A_386, %swap3A_387], %swap3A_390 {strides = array<i32>} : memref<512x128xf32, #tpu.memory_space<vmem>>, vector<1x16xf32>,
      %get3A_391 = arith.index_cast %add3A_334 : i32 to index
      %get3A_392 = arith.constant 64 : index
      %get3A_393 = tpu.vector_load %arg12[%get3A_391, %get3A_392] {strides = array<i32>} : memref<512x128xf32, #tpu.memory_space<vmem>>, vector<1x16xf32>,
      %get3A_394 = vector.shape_cast %get3A_393 : vector<1x16xf32> to vector<16xf32>
      %mul3A_395 = arith.mulf %gather3A_342, %get3A_39 : vector<16xf32>
      %add3A_396 = arith.addf %mul3A_395, %add3A_78 : vector<16xf32>
      %mul3A_397 = arith.mulf %get3A_394, %add3A_396 : vector<16xf32>
      %swap3A_398 = arith.index_cast %add3A_334 : i32 to index
      %swap3A_399 = arith.constant 64 : index
      %swap3A_400 = tpu.vector_load %arg12[%swap3A_398, %swap3A_399] {strides = array<i32>} : memref<512x128xf32, #tpu.memory_space<vmem>>, vector<1x16xf32>,
      %swap3A_401 = vector.shape_cast %swap3A_400 : vector<1x16xf32> to vector<16xf32>
      %swap3A_402 = vector.shape_cast %mul3A_397 : vector<16xf32> to vector<1x16xf32>
      tpu.vector_store %arg12[%swap3A_398, %swap3A_399], %swap3A_402 {strides = array<i32>} : memref<512x128xf32, #tpu.memory_space<vmem>>, vector<1x16xf32>,
      %get3A_403 = arith.index_cast %add3A_334 : i32 to index
      %get3A_404 = arith.constant 80 : index
      %get3A_405 = tpu.vector_load %arg12[%get3A_403, %get3A_404] {strides = array<i32>} : memref<512x128xf32, #tpu.memory_space<vmem>>, vector<1x16xf32>,
      %get3A_406 = vector.shape_cast %get3A_405 : vector<1x16xf32> to vector<16xf32>
      %mul3A_407 = arith.mulf %gather3A_342, %get3A_42 : vector<16xf32>
      %add3A_408 = arith.addf %mul3A_407, %add3A_84 : vector<16xf32>
      %mul3A_409 = arith.mulf %get3A_406, %add3A_408 : vector<16xf32>
      %swap3A_410 = arith.index_cast %add3A_334 : i32 to index
      %swap3A_411 = arith.constant 80 : index
      %swap3A_412 = tpu.vector_load %arg12[%swap3A_410, %swap3A_411] {strides = array<i32>} : memref<512x128xf32, #tpu.memory_space<vmem>>, vector<1x16xf32>,
      %swap3A_413 = vector.shape_cast %swap3A_412 : vector<1x16xf32> to vector<16xf32>
      %swap3A_414 = vector.shape_cast %mul3A_409 : vector<16xf32> to vector<1x16xf32>
      tpu.vector_store %arg12[%swap3A_410, %swap3A_411], %swap3A_414 {strides = array<i32>} : memref<512x128xf32, #tpu.memory_space<vmem>>, vector<1x16xf32>,
      %get3A_415 = arith.index_cast %add3A_334 : i32 to index
      %get3A_416 = arith.constant 96 : index
      %get3A_417 = tpu.vector_load %arg12[%get3A_415, %get3A_416] {strides = array<i32>} : memref<512x128xf32, #tpu.memory_space<vmem>>, vector<1x16xf32>,
      %get3A_418 = vector.shape_cast %get3A_417 : vector<1x16xf32> to vector<16xf32>
      %mul3A_419 = arith.mulf %gather3A_342, %get3A_45 : vector<16xf32>
      %add3A_420 = arith.addf %mul3A_419, %add3A_90 : vector<16xf32>
      %mul3A_421 = arith.mulf %get3A_418, %add3A_420 : vector<16xf32>
      %swap3A_422 = arith.index_cast %add3A_334 : i32 to index
      %swap3A_423 = arith.constant 96 : index
      %swap3A_424 = tpu.vector_load %arg12[%swap3A_422, %swap3A_423] {strides = array<i32>} : memref<512x128xf32, #tpu.memory_space<vmem>>, vector<1x16xf32>,
      %swap3A_425 = vector.shape_cast %swap3A_424 : vector<1x16xf32> to vector<16xf32>
      %swap3A_426 = vector.shape_cast %mul3A_421 : vector<16xf32> to vector<1x16xf32>
      tpu.vector_store %arg12[%swap3A_422, %swap3A_423], %swap3A_426 {strides = array<i32>} : memref<512x128xf32, #tpu.memory_space<vmem>>, vector<1x16xf32>,
      %get3A_427 = arith.index_cast %add3A_334 : i32 to index
      %get3A_428 = arith.constant 112 : index
      %get3A_429 = tpu.vector_load %arg12[%get3A_427, %get3A_428] {strides = array<i32>} : memref<512x128xf32, #tpu.memory_space<vmem>>, vector<1x16xf32>,
      %get3A_430 = vector.shape_cast %get3A_429 : vector<1x16xf32> to vector<16xf32>
      %mul3A_431 = arith.mulf %gather3A_342, %get3A_48 : vector<16xf32>
      %add3A_432 = arith.addf %mul3A_431, %add3A_96 : vector<16xf32>
      %mul3A_433 = arith.mulf %get3A_430, %add3A_432 : vector<16xf32>
      %swap3A_434 = arith.index_cast %add3A_334 : i32 to index
      %swap3A_435 = arith.constant 112 : index
      %swap3A_436 = tpu.vector_load %arg12[%swap3A_434, %swap3A_435] {strides = array<i32>} : memref<512x128xf32, #tpu.memory_space<vmem>>, vector<1x16xf32>,
      %swap3A_437 = vector.shape_cast %swap3A_436 : vector<1x16xf32> to vector<16xf32>
      %swap3A_438 = vector.shape_cast %mul3A_433 : vector<16xf32> to vector<1x16xf32>
      tpu.vector_store %arg12[%swap3A_434, %swap3A_435], %swap3A_438 {strides = array<i32>} : memref<512x128xf32, #tpu.memory_space<vmem>>, vector<1x16xf32>,
    }
    %scan3A_160 = arith.constant 32 : i32
    %add3A_161 = arith.constant 448 : i32
    %add3A_162 = arith.addi %mul3A_2, %add3A_161 : i32
    %dma_start3A_163 = arith.constant 448 : i32
    %dma_start3A_164 = arith.constant 0 : i32
    %dma_start3A_165 = tpu.memref_slice %arg12[%dma_start3A_163, %dma_start3A_164] : memref<512x128xf32, #tpu.memory_space<vmem>> -> memref<64x128xf32, #tpu.memory_space<vmem>>
    %dma_start3A_166 = arith.constant 0 : i32
    %dma_start3A_167 = tpu.memref_slice %arg7[%add3A_162, %dma_start3A_166] : memref<16384x128xf32, #tpu.memory_space<hbm>> -> memref<64x128xf32, #tpu.memory_space<hbm>>
    %dma_start3A_168 = arith.constant 0 : i32
    %dma_start3A_169 = tpu.memref_slice %arg7[%add3A_162, %dma_start3A_168] : memref<16384x128xf32, #tpu.memory_space<hbm>> -> memref<64x128xf32, #tpu.memory_space<hbm>>
    %dma_start3A_170 = arith.constant 448 : i32
    %dma_start3A_171 = arith.constant 0 : i32
    %dma_start3A_172 = tpu.memref_slice %arg12[%dma_start3A_170, %dma_start3A_171] : memref<512x128xf32, #tpu.memory_space<vmem>> -> memref<64x128xf32, #tpu.memory_space<vmem>>
    tpu.enqueue_dma source(%dma_start3A_172 : memref<64x128xf32, #tpu.memory_space<vmem>>) target(%dma_start3A_169 : memref<64x128xf32, #tpu.memory_space<hbm>>) target_semaphore(%arg18 : memref<!tpu.dma_semaphore, #tpu.memory_space<semaphore_mem>>)
    %dma_wait3A_173 = arith.constant 0 : i32
    %dma_wait3A_174 = arith.constant 0 : i32
    %dma_wait3A_175 = tpu.memref_slice %arg12[%dma_wait3A_173, %dma_wait3A_174] : memref<512x128xf32, #tpu.memory_space<vmem>> -> memref<256x128xf32, #tpu.memory_space<vmem>>
    %dma_wait3A_176 = arith.constant 0 : i32
    %dma_wait3A_177 = tpu.memref_slice %arg7[%add3A_110, %dma_wait3A_176] : memref<16384x128xf32, #tpu.memory_space<hbm>> -> memref<256x128xf32, #tpu.memory_space<hbm>>
    %dma_wait3A_178 = arith.constant 0 : i32
    %dma_wait3A_179 = tpu.memref_slice %arg7[%add3A_110, %dma_wait3A_178] : memref<16384x128xf32, #tpu.memory_space<hbm>> -> memref<256x128xf32, #tpu.memory_space<hbm>>
    %dma_wait3A_180 = arith.constant 0 : i32
    %dma_wait3A_181 = arith.constant 0 : i32
    %dma_wait3A_182 = tpu.memref_slice %arg12[%dma_wait3A_180, %dma_wait3A_181] : memref<512x128xf32, #tpu.memory_space<vmem>> -> memref<256x128xf32, #tpu.memory_space<vmem>>
    tpu.wait_dma2 semaphore(%arg16 : memref<!tpu.dma_semaphore, #tpu.memory_space<semaphore_mem>>) src(%dma_wait3A_182 : memref<256x128xf32, #tpu.memory_space<vmem>>) dst(%dma_wait3A_179 : memref<256x128xf32, #tpu.memory_space<hbm>>)
    %dma_wait3A_183 = arith.constant 256 : i32
    %dma_wait3A_184 = arith.constant 0 : i32
    %dma_wait3A_185 = tpu.memref_slice %arg12[%dma_wait3A_183, %dma_wait3A_184] : memref<512x128xf32, #tpu.memory_space<vmem>> -> memref<192x128xf32, #tpu.memory_space<vmem>>
    %dma_wait3A_186 = arith.constant 0 : i32
    %dma_wait3A_187 = tpu.memref_slice %arg7[%add3A_136, %dma_wait3A_186] : memref<16384x128xf32, #tpu.memory_space<hbm>> -> memref<192x128xf32, #tpu.memory_space<hbm>>
    %dma_wait3A_188 = arith.constant 0 : i32
    %dma_wait3A_189 = tpu.memref_slice %arg7[%add3A_136, %dma_wait3A_188] : memref<16384x128xf32, #tpu.memory_space<hbm>> -> memref<192x128xf32, #tpu.memory_space<hbm>>
    %dma_wait3A_190 = arith.constant 256 : i32
    %dma_wait3A_191 = arith.constant 0 : i32
    %dma_wait3A_192 = tpu.memref_slice %arg12[%dma_wait3A_190, %dma_wait3A_191] : memref<512x128xf32, #tpu.memory_space<vmem>> -> memref<192x128xf32, #tpu.memory_space<vmem>>
    tpu.wait_dma2 semaphore(%arg17 : memref<!tpu.dma_semaphore, #tpu.memory_space<semaphore_mem>>) src(%dma_wait3A_192 : memref<192x128xf32, #tpu.memory_space<vmem>>) dst(%dma_wait3A_189 : memref<192x128xf32, #tpu.memory_space<hbm>>)
    %dma_wait3A_193 = arith.constant 448 : i32
    %dma_wait3A_194 = arith.constant 0 : i32
    %dma_wait3A_195 = tpu.memref_slice %arg12[%dma_wait3A_193, %dma_wait3A_194] : memref<512x128xf32, #tpu.memory_space<vmem>> -> memref<64x128xf32, #tpu.memory_space<vmem>>
    %dma_wait3A_196 = arith.constant 0 : i32
    %dma_wait3A_197 = tpu.memref_slice %arg7[%add3A_162, %dma_wait3A_196] : memref<16384x128xf32, #tpu.memory_space<hbm>> -> memref<64x128xf32, #tpu.memory_space<hbm>>
    %dma_wait3A_198 = arith.constant 0 : i32
    %dma_wait3A_199 = tpu.memref_slice %arg7[%add3A_162, %dma_wait3A_198] : memref<16384x128xf32, #tpu.memory_space<hbm>> -> memref<64x128xf32, #tpu.memory_space<hbm>>
    %dma_wait3A_200 = arith.constant 448 : i32
    %dma_wait3A_201 = arith.constant 0 : i32
    %dma_wait3A_202 = tpu.memref_slice %arg12[%dma_wait3A_200, %dma_wait3A_201] : memref<512x128xf32, #tpu.memory_space<vmem>> -> memref<64x128xf32, #tpu.memory_space<vmem>>
    tpu.wait_dma2 semaphore(%arg18 : memref<!tpu.dma_semaphore, #tpu.memory_space<semaphore_mem>>) src(%dma_wait3A_202 : memref<64x128xf32, #tpu.memory_space<vmem>>) dst(%dma_wait3A_199 : memref<64x128xf32, #tpu.memory_space<hbm>>)
    return
  }
}

</mosaic_0001>

<sc_bundles>
// kernel: _time_embedding_sc.3.cloned.1.call-start
scs
__scs_entry_jumppad:
0x0: {  	(pc) =	sbr.rel $0x88, $3  }
0x1: {  	(tag) =	ssettag $0x0;
	lr =	simm.s32 $0x1  }
0x2: {  	[smem:$0x3F9C] =	sst lr;
	_ =	strace $0xD0000000  }
0x3: {  	_ = 	snop  }
0x4: {  	_ = 	snop  }
0x5: {  	_ = 	snop  }
0x6: {  	_ = 	snop  }
0x7: {  	_ = 	snop  }
__scs_overlays_trampoline_lowered:
0x8: {  	[smem:$0x3FAB] =	sst s0  }
0x9: {  	[smem:$0x3FAC] =	sst s1  }
0xa: {  	[smem:$0x3FAD] =	sst s2  }
0xb: {  	[smem:$0x3FAE] =	sst s3  }
0xc: {  	[smem:$0x3FAF] =	sst s4  }
0xd: {  	[smem:$0x3FB0] =	sst s5  }
0xe: {  	[smem:$0x3FB1] =	sst s6  }
0xf: {  	[smem:$0x3FB2] =	sst s7  }
0x10: {  	[smem:$0x3FB3] =	sst s8  }
0x11: {  	[smem:$0x3FB4] =	sst s9;
	s0 =	simm.s32 @!p0 $0x0  }
0x12: {  	s1 =	sld [smem:$0x3F9A];
	s0 =	simm.s32 @p0 $0x1  }
0x13: {  	[smem:$0x3FB5] =	sst s0;
	s0 =	simm.s32 @!p1 $0x0  }
0x14: {  	s2 =	sld [smem:$0x3F99];
	s0 =	simm.s32 @p1 $0x1  }
0x15: {  	[smem:$0x3FB6] =	sst s0;
	s0 =	simm.s32 @!p2 $0x0  }
0x16: {  	s3 =	sld [smem:$0x3FDB];
	s0 =	simm.s32 @p2 $0x1  }
0x17: {  	s4 =	simm.s32 $0x1BF5;
	[smem:$0x3FB8] =	sst s0  }
0x18: {  	s0 =	sld [smem:$0x3F9B];
	_ =	swait.ge [sflag:s4], $0x0  }
0x19: {  	s7 =	sld [smem:$0x3F9C]  }
0x1a: {  	s8 =	sadd.s32 $0xFFFFE003, lr  }
0x1b: {  	s9 =	sadd.s32 $0xFFFFFEF7, lr;
	s5 =	simm.s32 $0xFFFFFFFF;
	p2 =	slt.u32 s8, $0xFFFFF086  }
0x1c: {  	p1 =	slt.u32 s9, $0xF7A;
	s5 =	simm.s32 @!p2 $0x0  }
0x1d: {  	s5 =	simm.s32 @p1 $0x1;
	p0 =	seq.s32 s7, s2  }
0x1e: {  	s7 =	smul.u32 @!p0 $0xF7A, s2;
	p2 =	seq.s32 @!p0 s5, $0x0  }
0x1f: {  	s9 =	smul.u32 $0xF7A, s1;
	s8 =	simm.s32 @!p0 $0x1BF5;
	p2 =	por !p2, p0  }
0x20: {  	[sflag:s8] =	ssyncset.s32 @!p0 $0xFFFFF086;
	s6 =	sadd.s32 @!p0 s3, s7;
	s7 =	simm.s32 @!p0 $0x108  }
0x21: {  	s3 =	sadd.s32 s3, s9;
	s6 =	sadd.s32 @!p0 $0x88, s6;
	s7 =	simm.s32 @p2 $0x1082  }
0x22: {  	[simem:s7], [sflag:s8] =	dma.local @!p0 [hbm:s6], $0xF7A  }
0x23: {  	s9 =	sor.u32 $0xD0000000, s2;
	s6 =	simm.s32 $0x108;
	_ =	swait.ge @!p0 [sflag:s8], $0x0  }
0x24: {  	s3 =	sadd.s32 $0x88, s3;
	s6 =	simm.s32 @!p1 $0x1082;
	[sflag:s4] =	ssyncset.s32 $0xFFFFF086  }
0x25: {  	[simem:s6], [sflag:s4] =	dma.local [hbm:s3], $0xF7A  }
0x26: {  	[smem:$0x3F9C] =	sst s1;
	(tag) =	ssettag s2;
	_ =	strace s9  }
0x27: {  	s1 =	sld [smem:$0x3FAC]  }
0x28: {  	s2 =	sld [smem:$0x3FAD]  }
0x29: {  	s4 =	sld [smem:$0x3FAF]  }
0x2a: {  	p0 =	seq.s32 s5, $0x0;
	s5 =	sld [smem:$0x3FB0]  }
0x2b: {  	s6 =	sld [smem:$0x3FB1]  }
0x2c: {  	s7 =	sld [smem:$0x3FB2]  }
0x2d: {  	s3 =	simm.s32 $0x108;
	s8 =	sld [smem:$0x3FB3]  }
0x2e: {  	s3 =	simm.s32 @!p0 $0x1082;
	s9 =	sld [smem:$0x3FB4]  }
0x2f: {  	lr =	sadd.s32 s0, s3;
	s0 =	sld [smem:$0x3FAB]  }
0x30: {  	s3 =	sld [smem:$0x3FAE]  }
0x31: {  	[smem:$0x3FB7] =	sst s10  }
0x32: {  	s10 =	sld [smem:$0x3FB5];
	_ =	sdelay $0x3  }
0x33: {  	p0 =	seq.s32 s10, $0x1;
	s10 =	sld [smem:$0x3FB7];
	_ =	sdelay $0x3  }
0x34: {  	[smem:$0x3FB7] =	sst s10  }
0x35: {  	s10 =	sld [smem:$0x3FB6];
	_ =	sdelay $0x3  }
0x36: {  	p1 =	seq.s32 s10, $0x1;
	s10 =	sld [smem:$0x3FB7];
	_ =	sdelay $0x3  }
0x37: {  	[smem:$0x3FB7] =	sst s10  }
0x38: {  	s10 =	sld [smem:$0x3FB8]  }
0x39: {  	_ = 	snop;
	(pc) =	sbr.ind lr, $3  }
0x3a: {  	_ = 	snop  }
0x3b: {  	_ = 	snop  }
0x3c: {  	p2 =	seq.s32 s10, $0x1;
	s10 =	sld [smem:$0x3FB7]  }
0x3d: {  	_ =	shalt  }
0x3e: {  	_ =	shalt  }
0x3f: {  	_ =	shalt  }
0x40: {  	_ =	shalt  }
0x41: {  	_ =	shalt  }
0x42: {  	_ =	shalt  }
0x43: {  	_ =	shalt  }
0x44: {  	_ =	shalt  }
0x45: {  	_ =	shalt  }
0x46: {  	_ =	shalt  }
0x47: {  	_ =	shalt  }
0x48: {  	_ =	shalt  }
0x49: {  	_ =	shalt  }
0x4a: {  	_ =	shalt  }
0x4b: {  	_ =	shalt  }
0x4c: {  	_ =	shalt  }
0x4d: {  	_ =	shalt  }
0x4e: {  	_ =	shalt  }
0x4f: {  	_ =	shalt  }
0x50: {  	_ =	shalt  }
0x51: {  	_ =	shalt  }
0x52: {  	_ =	shalt  }
0x53: {  	_ =	shalt  }
0x54: {  	_ =	shalt  }
0x55: {  	_ =	shalt  }
0x56: {  	_ =	shalt  }
0x57: {  	_ =	shalt  }
0x58: {  	_ =	shalt  }
0x59: {  	_ =	shalt  }
0x5a: {  	_ =	shalt  }
0x5b: {  	_ =	shalt  }
0x5c: {  	_ =	shalt  }
0x5d: {  	_ =	shalt  }
0x5e: {  	_ =	shalt  }
0x5f: {  	_ =	shalt  }
0x60: {  	_ =	shalt  }
0x61: {  	_ =	shalt  }
0x62: {  	_ =	shalt  }
0x63: {  	_ =	shalt  }
0x64: {  	_ =	shalt  }
0x65: {  	_ =	shalt  }
0x66: {  	_ =	shalt  }
0x67: {  	_ =	shalt  }
0x68: {  	_ =	shalt  }
0x69: {  	_ =	shalt  }
0x6a: {  	_ =	shalt  }
0x6b: {  	_ =	shalt  }
0x6c: {  	_ =	shalt  }
0x6d: {  	_ =	shalt  }
0x6e: {  	_ =	shalt  }
0x6f: {  	_ =	shalt  }
0x70: {  	_ =	shalt  }
0x71: {  	_ =	shalt  }
0x72: {  	_ =	shalt  }
0x73: {  	_ =	shalt  }
0x74: {  	_ =	shalt  }
0x75: {  	_ =	shalt  }
0x76: {  	_ =	shalt  }
0x77: {  	_ =	shalt  }
0x78: {  	_ =	shalt  }
0x79: {  	_ =	shalt  }
0x7a: {  	_ =	shalt  }
0x7b: {  	_ =	shalt  }
0x7c: {  	_ =	shalt  }
0x7d: {  	_ =	shalt  }
0x7e: {  	_ =	shalt  }
0x7f: {  	_ =	shalt  }
0x80: {  	_ =	shalt  }
0x81: {  	_ =	shalt  }
0x82: {  	_ =	shalt  }
0x83: {  	_ =	shalt  }
0x84: {  	_ =	shalt  }
0x85: {  	_ =	shalt  }
0x86: {  	_ =	shalt  }
0x87: {  	_ =	shalt  }
.Lfunc_end0:
.L_simem_size_0:
called_computation_lowered:
.L_overlay_start_0:
0x88: {  	s2 =	sld [smem:$0x3FD9]  }
0x89: {  	s3 =	sld [smem:$0x3FFE];
	_ =	sdelay $0x1  }
0x8a: {  	s1 =	srdreg.scid  }
0x8b: {  	s0 =	sand.u32 $0x1, s1  }
0x8c: {  	s18 =	sshll.u32 s0, $0xA;
	s2 =	sadd.s32 s3, s2  }
0x8d: {  	s2 =	sadd.s32 s2, s18  }
0x8e: {  	[smem:$0x3FC3] =	sst s2  }
0x8f: {  	_ = 	snop  }
0x90: {  	s2 =	sld [smem:$0x3FC9]  }
0x91: {  	s19 =	sld [smem:$0x3FC8]  }
0x92: {  	s4 =	sld [smem:$0x3FC7]  }
0x93: {  	s5 =	sld [smem:$0x3FC6]  }
0x94: {  	s6 =	sld [smem:$0x3FC5]  }
0x95: {  	s7 =	sld [smem:$0x3FD0];
	(tm) =	ssettm $0x1  }
0x96: {  	s8 =	sld [smem:$0x3FFB];
	_ =	sdelay $0x3  }
0x97: {  	_ =	strace s8  }
0x98: {  	s8 =	sld [smem:$0x3FFC];
	_ =	sdelay $0x3  }
0x99: {  	_ =	strace s8  }
0x9a: {  	s8 =	sld [smem:$0x3FFD];
	_ =	sdelay $0x3  }
0x9b: {  	_ =	strace s8  }
0x9c: {  	_ =	strace $0x8FFFFFFF  }
0x9d: {  	s20 =	sld [smem:$0x3FDB];
	_ =	sdelay $0x1  }
0x9e: {  	s9 =	simm.s32 $_scs_section_size  }
0x9f: {  	s10 =	simm.s32 $_size__tile_overlayer_lowered;
	s11 =	simm.s32 $_tile_overlayer_lowered  }
0xa0: {  	s23 =	simm.s32 $0x1BFF;
	s22 =	sshll.u32 s11, $0x1;
	s8 =	sadd.s32 s9, s20  }
0xa1: {  	s12 =	simm.s32 $0x0;
	s21 =	sshll.u32 s10, $0x1;
	s10 =	sadd.s32 s22, s8  }
0xa2: {  	[timem:s12], [sflag:s23] =	dma.local [hbm:s10], s21  }
0xa3: {  	_ =	swait.ge [sflag:s23], s21  }
0xa4: {  	s9 =	ssub.s32 $0x0, s21;
	[sflag:s23] =	ssyncset.done $0x0  }
0xa5: {  	[sflag:s23] =	ssyncadd.s32 s9;
	_ =	sdelay $0x1  }
0xa6: {  	s24 =	simm.s32 $0x1B8B  }
0xa7: {  	_ =	swait.ge [sflag:s24], $0x1  }
0xa8: {  	[sflag:s24] =	ssyncset.done $0x0  }
0xa9: {  	s25 =	simm.s32 $0x1B8E;
	[sflag:s24] =	ssyncadd.s32 $0xFFFFFFFF  }
0xaa: {  	s26 =	simm.s32 $execute0_lowered;
	[smem:$0x3FD2] =	sst s25  }
0xab: {  	s9 =	sshll.u32 s26, $0x1;
	_ =	strace $0x80000046;
	[dreg:$0x1] =	wrdreg $0xFFFFFFFF  }
0xac: {  	s28 =	simm.s32 $_size_execute0_lowered;
	s8 =	sadd.s32 s8, s9;
	[dreg:$0x0] =	wrdreg $0x0  }
0xad: {  	s9 =	sshll.u32 s28, $0x1;
	[dreg:$0x2] =	wrdreg s8  }
0xae: {  	[dreg:$0x3] =	wrdreg s9  }
0xaf: {  	[dreg:$0x4] =	wrdreg $0xC0  }
0xb0: {  	_ =	task [dreg:s12], $0x5FFFF  }
0xb1: {  	[dreg:$0x1] =	wrdreg $0xFFFFFFFF  }
0xb2: {  	[dreg:$0x0] =	wrdreg $0x60  }
0xb3: {  	[dreg:$0x2] =	wrdreg s2  }
0xb4: {  	[dreg:$0x3] =	wrdreg s19  }
0xb5: {  	[dreg:$0x4] =	wrdreg s4  }
0xb6: {  	[dreg:$0x5] =	wrdreg s5  }
0xb7: {  	[dreg:$0x6] =	wrdreg s6  }
0xb8: {  	[dreg:$0x7] =	wrdreg s7  }
0xb9: {  	[dreg:$0x8] =	wrdreg $0x9  }
0xba: {  	_ =	task.clear_ibuf [dreg:s12], $0x9FFFF;
	_ =	strace $0x90000046  }
0xbb: {  	s29 =	simm.s32 $0x9;
	_ =	strace $0x80000048  }
0xbc: {  	_ =	swait.ge [sflag:s29], $0x1  }
0xbd: {  	[sflag:s29] =	ssyncadd.s32 $0xFFFFFFFF  }
0xbe: {  	_ =	strace $0x90000048  }
0xbf: {  	_ =	sfence  }
0xc0: {  	s30 =	sld [smem:$0x0];
	_ =	sdelay $0x2  }
0xc1: {  	s31 =	sshll.u32 s1, $0xD;
	s1 =	sshrl.u32 s1, $0x2  }
0xc2: {  	s3 =	sand.u32 $0x4000, s31;
	s1 =	sadd.s32 s1, s30  }
0xc3: {  	s0 =	sor.u32 s3, s0;
	s1 =	sshll.u32 s1, $0x11  }
0xc4: {  	s0 =	sor.u32 s1, s0  }
0xc5: {  	s0 =	sadd.s32 $0x8F2B, s0  }
0xc6: {  	[sflag:s0] =	ssyncadd.remote.s32 $0x1  }
0xc7: {  	_ =	sfence.sel $0xFFFF  }
0xc8: {  	[dreg:$0x0] =	wrdreg $0xFFFFFFFF;
	(pc) =	sbr.abs _section_cstart, $3  }
0xc9: {  	[dreg:$0x1] =	wrdreg $0xFFFFFFFF  }
0xca: {  	_ =	task.clear_ibuf [dreg:s12], $0x2FFFF;
	_ =	strace $0x9FFFFFFF  }
0xcb: {  	(tm) =	ssettm $0x7FFFFFFF  }
tec
execute0_lowered:
.L_overlay_start_1:
0x0: {  	(tag) =	ssettag $0x1  }
0x1: {  	s1 =	rddreg [dreg:$0x0]  }
0x2: {  	s0 =	rddreg [dreg:$0x1]  }
0x3: {  	s2 =	rddreg [dreg:$0x2]  }
0x4: {  	s4 =	rddreg [dreg:$0x5];
	s5 =	simm.s32 $0x0;
	s6 =	srdreg.scid  }
0x5: {  	s3 =	stileid.u32;
	s12 =	simm.s32 $0x7;
	s13 =	simm.s32 $0x100  }
0x6: {  	s14 =	simm.s32 $0x500;
	s15 =	simm.s32 $0xC0;
	s16 =	simm.s32 $0x8500  }
0x7: {  	s17 =	simm.s32 $0x40;
	s18 =	simm.s32 $0x1C0;
	s19 =	simm.s32 $0xE500  }
0x8: {  	s20 =	simm.s32 $0x200;
	s21 =	simm.s32 $0x400;
	s22 =	simm.s32 $0x480  }
0x9: {  	s23 =	simm.s32 $0x1;
	s24 =	simm.s32 $0x2;
	s25 =	simm.s32 $0x3  }
0xa: {  	s26 =	simm.s32 $0x4;
	s28 =	simm.s32 $0x5;
	s29 =	simm.s32 $0x6  }
0xb: {  	s30 =	simm.s32 $0x0;
	[smem:$0x7FF] =	sst s5;
	s6 =	sand.u32 $0x1, s6  }
0xc: {  	s8 =	sshll.u32 s3, $0xA;
	s7 =	ssub.s32 $0x2, s6;
	s6 =	sshll.u32 s6, $0x9  }
0xd: {  	_ =	strace $0x80000047;
	s9 =	sshrl.u32 s7, $0x1;
	s6 =	sor.u32 s6, s8  }
0xe: {  	s11 =	ssub.s32 s7, s9;
	s31 =	sshrl.u32 s6, $0x3;
	s8 =	sshll.u32 s6, $0x4  }
0xf: {  	s6 =	sadd.s32 s0, s31;
	s7 =	sadd.s32 s2, s31;
	s8 =	sadd.s32 s4, s8  }
0x10: {  	s11 =	smax.u32 s11, $0x1;
	s9 =	sadd.s32 $0x1000, s8;
	s10 =	sadd.s32 $0x1C00, s8  }
.LBB2_1:
0x11: {  	[tilespmem:s5], [sflag:$0x7] =	stream.linear.gather [hbm4b:s6+s5], $0x200, $0x38;
	[tilespmem:$0x10500] =	vst v63  }
0x12: {  	_ =	swait.ge [sflag:s12], $0x200  }
0x13: {  	[sflag:s12] =	ssyncset.done $0x0  }
0x14: {  	[sflag:s12] =	ssyncadd.s32 $0xFFFFFE00  }
0x15: {  	[tilespmem:s14], [sflag:$0x1] =	stream.indirect.gather [hbm4b:s1+s13], $0x80, s5, s13, $0xb8;
	[tilespmem:$0x10500] =	vst v63  }
0x16: {  	_ = 	snop  }
0x17: {  	[tilespmem:s16], [sflag:$0x2] =	stream.indirect.gather [hbm4b:s1+s15], $0x80, s13, s15, $0xb8;
	[tilespmem:$0x10500] =	vst v63  }
0x18: {  	_ = 	snop  }
0x19: {  	[tilespmem:s19], [sflag:$0x3] =	stream.indirect.gather [hbm4b:s1+s17], $0x80, s18, s17, $0xb8;
	[tilespmem:$0x10500] =	vst v63  }
0x1a: {  	_ = 	snop  }
0x1b: {  	[tilespmem:s20], [sflag:$0x7] =	stream.linear.gather [hbm4b:s7+s5], $0x200, $0x38;
	[tilespmem:$0x10500] =	vst v63  }
0x1c: {  	_ =	swait.ge [sflag:s12], $0x200  }
0x1d: {  	[sflag:s12] =	ssyncset.done $0x0  }
0x1e: {  	[sflag:s12] =	ssyncadd.s32 $0xFFFFFE00  }
0x1f: {  	s0 =	rddreg [dreg:$0x3]  }
0x20: {  	[tilespmem:s21], [sflag:$0x7] =	stream.linear.gather [hbm4b:s0+s5], $0x80, $0x38;
	[tilespmem:$0x10500] =	vst v63  }
0x21: {  	_ =	swait.ge [sflag:s12], $0x80  }
0x22: {  	[sflag:s12] =	ssyncset.done $0x0  }
0x23: {  	[sflag:s12] =	ssyncadd.s32 $0xFFFFFF80  }
0x24: {  	s2 =	rddreg [dreg:$0x4]  }
0x25: {  	[tilespmem:s22], [sflag:$0x7] =	stream.linear.gather [hbm4b:s2+s5], $0x80, $0x38;
	[tilespmem:$0x10500] =	vst v63  }
0x26: {  	_ =	swait.ge [sflag:s12], $0x80  }
0x27: {  	[sflag:s12] =	ssyncset.done $0x0  }
0x28: {  	[sflag:s12] =	ssyncadd.s32 $0xFFFFFF80  }
0x29: {  	v3 =	vld [tilespmem:$0x400]  }
0x2a: {  	v2 =	vld [tilespmem:$0x410]  }
0x2b: {  	v11 =	vld [tilespmem:$0x420]  }
0x2c: {  	v4 =	vld [tilespmem:$0x430]  }
0x2d: {  	v1 =	vld [tilespmem:$0x440]  }
0x2e: {  	v0 =	vld [tilespmem:$0x450]  }
0x2f: {  	v12 =	vld [tilespmem:$0x460]  }
0x30: {  	v9 =	vld [tilespmem:$0x470]  }
0x31: {  	v5 =	vld [tilespmem:$0x480]  }
0x32: {  	v6 =	vld [tilespmem:$0x490]  }
0x33: {  	v7 =	vld [tilespmem:$0x4A0]  }
0x34: {  	v8 =	vld [tilespmem:$0x4B0]  }
0x35: {  	v13 =	vld [tilespmem:$0x4C0]  }
0x36: {  	v15 =	vld [tilespmem:$0x4D0]  }
0x37: {  	v19 =	vld [tilespmem:$0x4E0]  }
0x38: {  	v20 =	vld [tilespmem:$0x4F0];
	_ =	swait.ge [sflag:s23], $0x8000  }
0x39: {  	[sflag:s23] =	ssyncset.done $0x0  }
0x3a: {  	s3 =	sand.u32 $0xF0, s5;
	[sflag:s23] =	ssyncadd.s32 $0xFFFF8000  }
0x3b: {  	v18 =	vld [tilespmem:s3+$0x200]  }
0x3c: {  	s4 =	sand.u32 $0xF, s5  }
0x3d: {  	s0 =	sadd.s32 $0x1, s4  }
0x3e: {  	v21 =	vmov s0;
	s2 =	sand.u32 $0xE, s5;
	v5 =	vadd.f32 $1.000000000e+00, v5  }
0x3f: {  	s31 =	simm.s32 $0x580;
	v6 =	vadd.f32 $1.000000000e+00, v6;
	v14 =	vadd.f32 $1.000000000e+00, v7;
	v7 =	vmov s2  }
0x40: {  	v16 =	vld [tilespmem:s31+$0x10];
	v10 =	vadd.f32 $1.000000000e+00, v8;
	v17 =	vperm.xlane v18, v7;
	v18 =	vperm.xlane v18, v21  }
0x41: {  	v8 =	vadd.f32 $1.000000000e+00, v13;
	v13 =	vadd.f32 $1.000000000e+00, v20;
	v21 =	vld [tilespmem:s31+$0xFFFFFF80]  }
0x42: {  	v27 =	vld [tilespmem:s31+$0xFFFFFFA0];
	v7 =	vadd.f32 $1.000000000e+00, v15;
	v20 =	vmul.f32 v17, v3;
	v23 =	vmul.f32 v18, v9  }
0x43: {  	v24 =	vld [tilespmem:s31+$0x70];
	v15 =	vadd.f32 $1.000000000e+00, v19;
	v19 =	vmul.f32 v17, v11;
	v25 =	vmul.f32 v18, v12  }
0x44: {  	v22 =	vld [tilespmem:s31+$0x20];
	v28 =	vmul.f32 v18, v11;
	v20 =	vadd.f32 v20, v5;
	v26 =	vadd.f32 v23, v13  }
0x45: {  	v32 =	vmul.f32 v17, v12;
	v29 =	vadd.f32 v19, v14;
	v23 =	vld [tilespmem:s31+$0xFFFFFFE0];
	v19 =	vadd.f32 v25, v15  }
0x46: {  	v28 =	vadd.f32 v28, v14;
	v25 =	vmul.f32 v18, v4;
	v31 =	vmul.f32 v20, v21;
	v21 =	vld [tilespmem:s31+$0x60]  }
0x47: {  	s4 =	simm.s32 $0x580;
	s0 =	simm.s32 $0x2;
	v30 =	vmul.f32 v27, v29;
	v29 =	vadd.f32 v32, v15;
	v20 =	vld [tilespmem:s31+$0x30];
	v27 =	vmul.f32 v18, v1  }
.LBB2_2:
0x48: {  	p0 =	sne.s32 s0, $0xFE  }
0x49: {  	[tilespmem:s31+$0xFFFFFF80] =	vst v31;
	v31 =	vld [tilespmem:s31+$0xFFFFFFF0];
	v32 =	vmul.f32 v18, v2;
	v24 =	vmul.f32 v24, v26;
	s4 =	sadd.s32 $0x100, s4;
	s2 =	smov.u32 s0;
	s0 =	sadd.s32 $0x2, s0  }
0x4a: {  	v26 =	vmul.f32 v17, v9;
	[tilespmem:s31+$0xFFFFFFA0] =	vst v30;
	v22 =	vmul.f32 v22, v28;
	v28 =	vld [tilespmem:s31+$0x40];
	v27 =	vadd.f32 v27, v8  }
0x4b: {  	v25 =	vadd.f32 v25, v10;
	v30 =	vmul.f32 v18, v0;
	v23 =	vmul.f32 v23, v29;
	v29 =	vld [tilespmem:s31+$0x0];
	[tilespmem:s31+$0x70] =	vst v24  }
0x4c: {  	v18 =	vmul.f32 v18, v3;
	v24 =	vadd.f32 v32, v6;
	[tilespmem:s31+$0x20] =	vst v22;
	v22 =	vld [tilespmem:s31+$0x50];
	v19 =	vmul.f32 v21, v19  }
0x4d: {  	v32 =	vmul.f32 v17, v1;
	v21 =	vld [tilespmem:s31+$0xFFFFFFC0];
	[tilespmem:s31+$0xFFFFFFE0] =	vst v23;
	v20 =	vmul.f32 v20, v25  }
0x4e: {  	v26 =	vadd.f32 v26, v13;
	v25 =	vmul.f32 v17, v0;
	v16 =	vmul.f32 v16, v24;
	v23 =	vld [tilespmem:s31+$0xFFFFFFB0];
	[tilespmem:s31+$0x60] =	vst v19  }
0x4f: {  	v19 =	vmul.f32 v17, v4;
	v24 =	vld [tilespmem:s31+$0xFFFFFFD0];
	v27 =	vmul.f32 v28, v27;
	v28 =	vadd.f32 v30, v7  }
0x50: {  	v32 =	vadd.f32 v32, v8;
	v17 =	vmul.f32 v17, v2;
	v26 =	vmul.f32 v31, v26;
	v30 =	vld [tilespmem:s31+$0xFFFFFF90];
	[tilespmem:s31+$0x10] =	vst v16  }
0x51: {  	v25 =	vadd.f32 v25, v7;
	v19 =	vadd.f32 v19, v10;
	v16 =	vld [tilespmem:s4+$0x10];
	[tilespmem:s31+$0x30] =	vst v20;
	v20 =	vmul.f32 v22, v28  }
0x52: {  	v18 =	vadd.f32 v18, v5;
	v17 =	vadd.f32 v17, v6;
	v21 =	vmul.f32 v21, v32;
	[tilespmem:s31+$0x40] =	vst v27  }
0x53: {  	v19 =	vmul.f32 v23, v19;
	[tilespmem:s31+$0xFFFFFFF0] =	vst v26  }
0x54: {  	v18 =	vmul.f32 v18, v29;
	v22 =	vmul.f32 v24, v25;
	[tilespmem:s31+$0x50] =	vst v20  }
0x55: {  	v17 =	vmul.f32 v30, v17;
	[tilespmem:s31+$0xFFFFFFB0] =	vst v19  }
0x56: {  	[tilespmem:s31+$0x0] =	vst v18  }
0x57: {  	[tilespmem:s31+$0xFFFFFF90] =	vst v17  }
0x58: {  	[tilespmem:s31+$0xFFFFFFC0] =	vst v21  }
0x59: {  	s3 =	sand.u32 $0xF0, s2;
	[tilespmem:s31+$0xFFFFFFD0] =	vst v22;
	s31 =	smov.u32 s4  }
0x5a: {  	v18 =	vld [tilespmem:s3+$0x200];
	_ =	sdelay $0x1  }
0x5b: {  	s3 =	sand.u32 $0xF, s2  }
0x5c: {  	s2 =	sand.u32 $0xE, s2;
	s3 =	sadd.s32 $0x1, s3  }
0x5d: {  	v17 =	vmov s2;
	v19 =	vmov s3  }
0x5e: {  	v17 =	vperm.xlane v18, v17;
	v18 =	vperm.xlane v18, v19  }
0x5f: {  	v20 =	vld [tilespmem:s4+$0xFFFFFF80]  }
0x60: {  	v19 =	vmul.f32 v17, v3;
	v27 =	vld [tilespmem:s4+$0xFFFFFFA0];
	v21 =	vmul.f32 v18, v9  }
.Ltmp0:
0x61: {  	v23 =	vmul.f32 v17, v11;
	v25 =	vmul.f32 v18, v12;
	v24 =	vld [tilespmem:s4+$0x70];
	(pc) =	sbr.rel @p0 .LBB2_2-.Ltmp0, $4  }
0x62: {  	v29 =	vmul.f32 v18, v11;
	v28 =	vadd.f32 v19, v5;
	v22 =	vld [tilespmem:s4+$0x20];
	v26 =	vadd.f32 v21, v13  }
0x63: {  	v32 =	vmul.f32 v17, v12;
	v30 =	vadd.f32 v23, v14;
	v19 =	vadd.f32 v25, v15;
	v23 =	vld [tilespmem:s4+$0xFFFFFFE0]  }
0x64: {  	v25 =	vmul.f32 v18, v4;
	v31 =	vmul.f32 v28, v20;
	v28 =	vadd.f32 v29, v14;
	v21 =	vld [tilespmem:s4+$0x60]  }
0x65: {  	v29 =	vadd.f32 v32, v15;
	v30 =	vmul.f32 v27, v30;
	v20 =	vld [tilespmem:s4+$0x30];
	v27 =	vmul.f32 v18, v1  }
0x66: {  	_ = 	snop  }
0x67: {  	[tilespmem:s31+$0xFFFFFF80] =	vst v31;
	v24 =	vmul.f32 v24, v26;
	v26 =	vmul.f32 v18, v2  }
0x68: {  	[tilespmem:s31+$0xFFFFFFA0] =	vst v30;
	v22 =	vmul.f32 v22, v28;
	v28 =	vld [tilespmem:s31+$0x40];
	v23 =	vmul.f32 v23, v29  }
0x69: {  	v31 =	vld [tilespmem:s31+$0xFFFFFFF0];
	v25 =	vadd.f32 v25, v10;
	[tilespmem:s31+$0x70] =	vst v24;
	v24 =	vadd.f32 v26, v6;
	v26 =	vmul.f32 v17, v9  }
0x6a: {  	v30 =	vld [tilespmem:s31+$0x50];
	v19 =	vmul.f32 v21, v19;
	[tilespmem:s31+$0xFFFFFFE0] =	vst v23;
	v23 =	vmul.f32 v18, v0  }
0x6b: {  	v29 =	vld [tilespmem:s31+$0x0];
	[tilespmem:s31+$0x20] =	vst v22;
	v21 =	vadd.f32 v27, v8;
	v16 =	vmul.f32 v16, v24;
	v20 =	vmul.f32 v20, v25  }
0x6c: {  	v27 =	vld [tilespmem:s31+$0xFFFFFFB0];
	v24 =	vadd.f32 v26, v13;
	v18 =	vmul.f32 v18, v3;
	[tilespmem:s31+$0x60] =	vst v19;
	v19 =	vmul.f32 v17, v4  }
0x6d: {  	v25 =	vld [tilespmem:s31+$0xFFFFFF90];
	v21 =	vmul.f32 v28, v21;
	v23 =	vadd.f32 v23, v7;
	[tilespmem:s31+$0x10] =	vst v16;
	v16 =	vmul.f32 v17, v2  }
0x6e: {  	v26 =	vld [tilespmem:s31+$0xFFFFFFD0];
	v24 =	vmul.f32 v31, v24;
	[tilespmem:s31+$0x30] =	vst v20;
	v20 =	vmul.f32 v17, v1;
	v18 =	vadd.f32 v18, v5  }
0x6f: {  	v22 =	vld [tilespmem:s31+$0xFFFFFFC0];
	v17 =	vmul.f32 v17, v0;
	v19 =	vadd.f32 v19, v10;
	v23 =	vmul.f32 v30, v23;
	[tilespmem:s31+$0x40] =	vst v21  }
0x70: {  	v16 =	vadd.f32 v16, v6;
	[tilespmem:s31+$0xFFFFFFF0] =	vst v24;
	v18 =	vmul.f32 v18, v29  }
0x71: {  	v17 =	vadd.f32 v17, v7;
	v19 =	vmul.f32 v27, v19;
	[tilespmem:s31+$0x50] =	vst v23  }
0x72: {  	v20 =	vadd.f32 v20, v8;
	v16 =	vmul.f32 v25, v16;
	[tilespmem:s31+$0x0] =	vst v18  }
0x73: {  	v17 =	vmul.f32 v26, v17;
	[tilespmem:s31+$0xFFFFFFB0] =	vst v19  }
0x74: {  	v19 =	vmul.f32 v22, v20;
	[tilespmem:s31+$0xFFFFFF90] =	vst v16  }
0x75: {  	[tilespmem:s31+$0xFFFFFFD0] =	vst v17  }
0x76: {  	s0 =	simm.s32 $0x0;
	[tilespmem:s31+$0xFFFFFFC0] =	vst v19  }
0x77: {  	[hbm4b:s8+s0] =	stream.linear.scatter [tilespmem:s14], [sflag:$0x4], $0x8000, $0x38;
	[tilespmem:$0x10500] =	vst v63  }
0x78: {  	_ =	swait.ge [sflag:s24], $0x6000  }
0x79: {  	s0 =	simm.s32 $0x100;
	[sflag:s24] =	ssyncset.done $0x0  }
0x7a: {  	s2 =	sand.u32 $0x1F0, s0;
	[sflag:s24] =	ssyncadd.s32 $0xFFFFA000  }
0x7b: {  	v16 =	vld [tilespmem:s2+$0x200];
	_ =	sdelay $0x1  }
0x7c: {  	s4 =	sand.u32 $0xF, s0  }
0x7d: {  	s3 =	sand.u32 $0xE, s0;
	s2 =	sadd.s32 $0x1, s4  }
0x7e: {  	s31 =	simm.s32 $0x0;
	v17 =	vmov s3;
	v18 =	vmov s2  }
0x7f: {  	v21 =	vld [tilespmem:s31+$0x85F0];
	v17 =	vperm.xlane v16, v17;
	v19 =	vperm.xlane v16, v18  }
0x80: {  	v20 =	vld [tilespmem:s31+$0x8520]  }
0x81: {  	v24 =	vld [tilespmem:s31+$0x85A0];
	v22 =	vmul.f32 v17, v11;
	v27 =	vmul.f32 v19, v9  }
0x82: {  	v25 =	vld [tilespmem:s31+$0x8560];
	v23 =	vmul.f32 v19, v11;
	v26 =	vmul.f32 v19, v12  }
0x83: {  	v16 =	vld [tilespmem:s31+$0x8580];
	v18 =	vmul.f32 v17, v3;
	v32 =	vmul.f32 v17, v12;
	v29 =	vadd.f32 v22, v14  }
0x84: {  	v28 =	vadd.f32 v23, v14;
	v22 =	vmul.f32 v19, v4;
	v23 =	vld [tilespmem:s31+$0x85E0];
	v30 =	vadd.f32 v27, v13  }
0x85: {  	s4 =	simm.s32 $0x400;
	v27 =	vmul.f32 v19, v1;
	v31 =	vmul.f32 v20, v29;
	v29 =	vadd.f32 v32, v15;
	v20 =	vld [tilespmem:s31+$0x85B0]  }
.LBB2_4:
0x86: {  	p0 =	sne.s32 s4, $0x17C00  }
0x87: {  	v32 =	vld [tilespmem:s31+$0x8590];
	v33 =	vmul.f32 v19, v2;
	v26 =	vadd.f32 v26, v15;
	v21 =	vmul.f32 v21, v30;
	s0 =	sadd.s32 $0x2, s0;
	s2 =	smov.u32 s4;
	s4 =	sadd.s32 $0x400, s4  }
0x88: {  	v30 =	vmul.f32 v17, v9;
	[tilespmem:s31+$0x8520] =	vst v31;
	v24 =	vmul.f32 v24, v28;
	v28 =	vld [tilespmem:s31+$0x85C0];
	v27 =	vadd.f32 v27, v8  }
0x89: {  	v22 =	vadd.f32 v22, v10;
	v31 =	vmul.f32 v19, v0;
	v25 =	vmul.f32 v25, v29;
	v29 =	vld [tilespmem:s31+$0x8570];
	[tilespmem:s31+$0x85F0] =	vst v21  }
0x8a: {  	v19 =	vmul.f32 v19, v3;
	v21 =	vadd.f32 v33, v6;
	[tilespmem:s31+$0x85A0] =	vst v24;
	v24 =	vld [tilespmem:s31+$0x85D0];
	v23 =	vmul.f32 v23, v26  }
0x8b: {  	v33 =	vmul.f32 v17, v1;
	v26 =	vld [tilespmem:s31+$0x8540];
	[tilespmem:s31+$0x8560] =	vst v25;
	v20 =	vmul.f32 v20, v22  }
0x8c: {  	v30 =	vadd.f32 v30, v13;
	v25 =	vmul.f32 v17, v0;
	v22 =	vld [tilespmem:s31+$0x8530];
	v21 =	vmul.f32 v32, v21;
	[tilespmem:s31+$0x85E0] =	vst v23  }
0x8d: {  	v23 =	vmul.f32 v17, v4;
	v32 =	vld [tilespmem:s31+$0x8550];
	v27 =	vmul.f32 v28, v27;
	v28 =	vadd.f32 v31, v7  }
0x8e: {  	v33 =	vadd.f32 v33, v8;
	v17 =	vmul.f32 v17, v2;
	v31 =	vld [tilespmem:s31+$0x8510];
	v29 =	vmul.f32 v29, v30;
	[tilespmem:s31+$0x8590] =	vst v21  }
0x8f: {  	v25 =	vadd.f32 v25, v7;
	v23 =	vadd.f32 v23, v10;
	v21 =	vld [tilespmem:s31+$0x8500];
	[tilespmem:s31+$0x85B0] =	vst v20;
	v20 =	vmul.f32 v24, v28  }
0x90: {  	v19 =	vadd.f32 v19, v5;
	v17 =	vadd.f32 v17, v6;
	v24 =	vmul.f32 v26, v33;
	[tilespmem:s31+$0x85C0] =	vst v27  }
0x91: {  	v22 =	vmul.f32 v22, v23;
	[tilespmem:s31+$0x8570] =	vst v29  }
0x92: {  	v18 =	vadd.f32 v18, v5;
	v16 =	vmul.f32 v19, v16;
	v23 =	vmul.f32 v32, v25;
	[tilespmem:s31+$0x85D0] =	vst v20  }
0x93: {  	v17 =	vmul.f32 v31, v17;
	[tilespmem:s31+$0x8530] =	vst v22  }
0x94: {  	v18 =	vmul.f32 v18, v21;
	[tilespmem:s31+$0x8580] =	vst v16  }
0x95: {  	[tilespmem:s31+$0x8510] =	vst v17  }
0x96: {  	[tilespmem:s31+$0x8500] =	vst v18  }
0x97: {  	s3 =	sand.u32 $0x1F0, s0;
	[tilespmem:s31+$0x8540] =	vst v24  }
0x98: {  	[tilespmem:s31+$0x8550] =	vst v23  }
0x99: {  	v16 =	vld [tilespmem:s3+$0x200]  }
0x9a: {  	s3 =	sand.u32 $0xF, s0  }
0x9b: {  	s31 =	sand.u32 $0xE, s0;
	s3 =	sadd.s32 $0x1, s3  }
0x9c: {  	v17 =	vmov s31;
	v18 =	vmov s3  }
0x9d: {  	s31 =	sshra.s32 s2, $0x2  }
0x9e: {  	v17 =	vperm.xlane v16, v17;
	v19 =	vperm.xlane v16, v18;
	v21 =	vld [tilespmem:s31+$0x85F0]  }
0x9f: {  	v20 =	vld [tilespmem:s31+$0x8520]  }
.Ltmp1:
0xa0: {  	v22 =	vmul.f32 v17, v11;
	v16 =	vld [tilespmem:s31+$0x8580];
	v27 =	vmul.f32 v19, v9;
	(pc) =	sbr.rel @p0 .LBB2_4-.Ltmp1, $4  }
0xa1: {  	v23 =	vmul.f32 v19, v11;
	v26 =	vmul.f32 v19, v12;
	v24 =	vld [tilespmem:s31+$0x85A0]  }
0xa2: {  	v18 =	vmul.f32 v17, v3;
	v32 =	vmul.f32 v17, v12;
	v29 =	vadd.f32 v22, v14;
	v25 =	vld [tilespmem:s31+$0x8560]  }
0xa3: {  	v28 =	vadd.f32 v23, v14;
	v22 =	vmul.f32 v19, v4;
	v30 =	vadd.f32 v27, v13;
	v23 =	vld [tilespmem:s31+$0x85E0]  }
0xa4: {  	v27 =	vmul.f32 v19, v1;
	v31 =	vmul.f32 v20, v29;
	v29 =	vadd.f32 v32, v15;
	v20 =	vld [tilespmem:s31+$0x85B0]  }
0xa5: {  	v21 =	vmul.f32 v21, v30;
	_ =	sdelay $0x1  }
0xa6: {  	v32 =	vld [tilespmem:s31+$0x8590];
	v24 =	vmul.f32 v24, v28;
	[tilespmem:s31+$0x85F0] =	vst v21;
	v21 =	vadd.f32 v26, v15  }
0xa7: {  	[tilespmem:s31+$0x8520] =	vst v31;
	v31 =	vmul.f32 v19, v0;
	v26 =	vmul.f32 v19, v2  }
0xa8: {  	v30 =	vld [tilespmem:s31+$0x85C0];
	v22 =	vadd.f32 v22, v10;
	v19 =	vmul.f32 v19, v3;
	v21 =	vmul.f32 v23, v21  }
0xa9: {  	v28 =	vld [tilespmem:s31+$0x8570];
	[tilespmem:s31+$0x85A0] =	vst v24;
	v24 =	vmul.f32 v25, v29;
	v23 =	vadd.f32 v26, v6  }
0xaa: {  	v25 =	vld [tilespmem:s31+$0x85D0];
	v20 =	vmul.f32 v20, v22;
	v19 =	vadd.f32 v19, v5;
	[tilespmem:s31+$0x85E0] =	vst v21;
	v21 =	vmul.f32 v17, v9  }
0xab: {  	v27 =	vadd.f32 v27, v8;
	[tilespmem:s31+$0x8560] =	vst v24;
	v24 =	vld [tilespmem:s31+$0x8530];
	v23 =	vmul.f32 v32, v23  }
0xac: {  	v62 =	vld [tilespmem:s31+$0x8510];
	v22 =	vmul.f32 v17, v4;
	[tilespmem:s31+$0x85B0] =	vst v20;
	v16 =	vmul.f32 v19, v16;
	v21 =	vadd.f32 v21, v13  }
0xad: {  	[tilespmem:s31+$0x8590] =	vst v23;
	v23 =	vmul.f32 v30, v27;
	v27 =	vadd.f32 v31, v7;
	v30 =	vld [tilespmem:s31+$0x8500];
	v31 =	vmul.f32 v17, v2  }
0xae: {  	v29 =	vld [tilespmem:s31+$0x8540];
	v22 =	vadd.f32 v22, v10;
	[tilespmem:s31+$0x8580] =	vst v16;
	v21 =	vmul.f32 v28, v21  }
0xaf: {  	v26 =	vld [tilespmem:s31+$0x8550];
	v20 =	vmul.f32 v25, v27;
	[tilespmem:s31+$0x85C0] =	vst v23;
	v23 =	vmul.f32 v17, v1;
	v25 =	vadd.f32 v31, v6  }
0xb0: {  	v18 =	vadd.f32 v18, v5;
	v22 =	vmul.f32 v24, v22;
	v17 =	vmul.f32 v17, v0;
	[tilespmem:s31+$0x8570] =	vst v21  }
0xb1: {  	[tilespmem:s31+$0x85D0] =	vst v20;
	v19 =	vadd.f32 v23, v8;
	v20 =	vmul.f32 v62, v25  }
0xb2: {  	[tilespmem:s31+$0x8530] =	vst v22;
	v17 =	vadd.f32 v17, v7;
	v18 =	vmul.f32 v18, v30  }
0xb3: {  	v16 =	vmul.f32 v29, v19;
	[tilespmem:s31+$0x8510] =	vst v20  }
0xb4: {  	v17 =	vmul.f32 v26, v17;
	[tilespmem:s31+$0x8500] =	vst v18  }
0xb5: {  	[tilespmem:s31+$0x8540] =	vst v16  }
0xb6: {  	s0 =	simm.s32 $0x0;
	[tilespmem:s31+$0x8550] =	vst v17  }
0xb7: {  	[hbm4b:s9+s0] =	stream.linear.scatter [tilespmem:s16], [sflag:$0x5], $0x6000, $0x38;
	[tilespmem:$0x10500] =	vst v63  }
0xb8: {  	_ =	swait.ge [sflag:s25], $0x2000  }
0xb9: {  	s0 =	simm.s32 $0x1C0;
	[sflag:s25] =	ssyncset.done $0x0  }
0xba: {  	s2 =	sand.u32 $0x1F0, s0;
	[sflag:s25] =	ssyncadd.s32 $0xFFFFE000  }
0xbb: {  	v16 =	vld [tilespmem:s2+$0x200];
	_ =	sdelay $0x1  }
0xbc: {  	s4 =	sand.u32 $0xF, s0  }
0xbd: {  	s3 =	sand.u32 $0xE, s0;
	s2 =	sadd.s32 $0x1, s4  }
0xbe: {  	s31 =	simm.s32 $0x0;
	v17 =	vmov s3;
	v18 =	vmov s2  }
0xbf: {  	v21 =	vld [tilespmem:s31+$0xE5F0];
	v17 =	vperm.xlane v16, v17;
	v19 =	vperm.xlane v16, v18  }
0xc0: {  	v20 =	vld [tilespmem:s31+$0xE520]  }
0xc1: {  	v24 =	vld [tilespmem:s31+$0xE5A0];
	v22 =	vmul.f32 v17, v11;
	v27 =	vmul.f32 v19, v9  }
0xc2: {  	v25 =	vld [tilespmem:s31+$0xE560];
	v23 =	vmul.f32 v19, v11;
	v26 =	vmul.f32 v19, v12  }
0xc3: {  	v16 =	vld [tilespmem:s31+$0xE580];
	v18 =	vmul.f32 v17, v3;
	v63 =	vmul.f32 v17, v12;
	v29 =	vadd.f32 v22, v14  }
0xc4: {  	v28 =	vadd.f32 v23, v14;
	v22 =	vmul.f32 v19, v4;
	v23 =	vld [tilespmem:s31+$0xE5E0];
	v30 =	vadd.f32 v27, v13  }
0xc5: {  	s4 =	simm.s32 $0x400;
	v27 =	vmul.f32 v19, v1;
	v31 =	vmul.f32 v20, v29;
	v29 =	vadd.f32 v63, v15;
	v20 =	vld [tilespmem:s31+$0xE5B0]  }
.LBB2_6:
0xc6: {  	p0 =	sne.s32 s4, $0x7C00  }
0xc7: {  	v32 =	vld [tilespmem:s31+$0xE590];
	v33 =	vmul.f32 v19, v2;
	v26 =	vadd.f32 v26, v15;
	v21 =	vmul.f32 v21, v30;
	s0 =	sadd.s32 $0x2, s0;
	s2 =	smov.u32 s4;
	s4 =	sadd.s32 $0x400, s4  }
0xc8: {  	v30 =	vmul.f32 v17, v9;
	[tilespmem:s31+$0xE520] =	vst v31;
	v24 =	vmul.f32 v24, v28;
	v28 =	vld [tilespmem:s31+$0xE5C0];
	v27 =	vadd.f32 v27, v8  }
0xc9: {  	v22 =	vadd.f32 v22, v10;
	v31 =	vmul.f32 v19, v0;
	v25 =	vmul.f32 v25, v29;
	v29 =	vld [tilespmem:s31+$0xE570];
	[tilespmem:s31+$0xE5F0] =	vst v21  }
0xca: {  	v19 =	vmul.f32 v19, v3;
	v21 =	vadd.f32 v33, v6;
	[tilespmem:s31+$0xE5A0] =	vst v24;
	v24 =	vld [tilespmem:s31+$0xE5D0];
	v23 =	vmul.f32 v23, v26  }
0xcb: {  	v33 =	vmul.f32 v17, v1;
	v26 =	vld [tilespmem:s31+$0xE540];
	[tilespmem:s31+$0xE560] =	vst v25;
	v20 =	vmul.f32 v20, v22  }
0xcc: {  	v30 =	vadd.f32 v30, v13;
	v25 =	vmul.f32 v17, v0;
	v22 =	vld [tilespmem:s31+$0xE530];
	v21 =	vmul.f32 v32, v21;
	[tilespmem:s31+$0xE5E0] =	vst v23  }
0xcd: {  	v23 =	vmul.f32 v17, v4;
	v32 =	vld [tilespmem:s31+$0xE550];
	v27 =	vmul.f32 v28, v27;
	v28 =	vadd.f32 v31, v7  }
0xce: {  	v33 =	vadd.f32 v33, v8;
	v17 =	vmul.f32 v17, v2;
	v31 =	vld [tilespmem:s31+$0xE510];
	v29 =	vmul.f32 v29, v30;
	[tilespmem:s31+$0xE590] =	vst v21  }
0xcf: {  	v25 =	vadd.f32 v25, v7;
	v23 =	vadd.f32 v23, v10;
	v21 =	vld [tilespmem:s31+$0xE500];
	[tilespmem:s31+$0xE5B0] =	vst v20;
	v20 =	vmul.f32 v24, v28  }
0xd0: {  	v19 =	vadd.f32 v19, v5;
	v17 =	vadd.f32 v17, v6;
	v24 =	vmul.f32 v26, v33;
	[tilespmem:s31+$0xE5C0] =	vst v27  }
0xd1: {  	v22 =	vmul.f32 v22, v23;
	[tilespmem:s31+$0xE570] =	vst v29  }
0xd2: {  	v18 =	vadd.f32 v18, v5;
	v16 =	vmul.f32 v19, v16;
	v23 =	vmul.f32 v32, v25;
	[tilespmem:s31+$0xE5D0] =	vst v20  }
0xd3: {  	v17 =	vmul.f32 v31, v17;
	[tilespmem:s31+$0xE530] =	vst v22  }
0xd4: {  	v18 =	vmul.f32 v18, v21;
	[tilespmem:s31+$0xE580] =	vst v16  }
0xd5: {  	[tilespmem:s31+$0xE510] =	vst v17  }
0xd6: {  	[tilespmem:s31+$0xE500] =	vst v18  }
0xd7: {  	s3 =	sand.u32 $0x1F0, s0;
	[tilespmem:s31+$0xE540] =	vst v24  }
0xd8: {  	[tilespmem:s31+$0xE550] =	vst v23  }
0xd9: {  	v16 =	vld [tilespmem:s3+$0x200]  }
0xda: {  	s3 =	sand.u32 $0xF, s0  }
0xdb: {  	s31 =	sand.u32 $0xE, s0;
	s3 =	sadd.s32 $0x1, s3  }
0xdc: {  	v17 =	vmov s31;
	v18 =	vmov s3  }
0xdd: {  	s31 =	sshra.s32 s2, $0x2  }
0xde: {  	v17 =	vperm.xlane v16, v17;
	v19 =	vperm.xlane v16, v18;
	v21 =	vld [tilespmem:s31+$0xE5F0]  }
0xdf: {  	v20 =	vld [tilespmem:s31+$0xE520]  }
.Ltmp2:
0xe0: {  	v22 =	vmul.f32 v17, v11;
	v16 =	vld [tilespmem:s31+$0xE580];
	v27 =	vmul.f32 v19, v9;
	(pc) =	sbr.rel @p0 .LBB2_6-.Ltmp2, $4  }
0xe1: {  	v23 =	vmul.f32 v19, v11;
	v26 =	vmul.f32 v19, v12;
	v24 =	vld [tilespmem:s31+$0xE5A0]  }
0xe2: {  	v18 =	vmul.f32 v17, v3;
	v32 =	vmul.f32 v17, v12;
	v29 =	vadd.f32 v22, v14;
	v25 =	vld [tilespmem:s31+$0xE560]  }
0xe3: {  	v28 =	vadd.f32 v23, v14;
	v22 =	vmul.f32 v19, v4;
	v30 =	vadd.f32 v27, v13;
	v23 =	vld [tilespmem:s31+$0xE5E0]  }
0xe4: {  	v27 =	vmul.f32 v19, v1;
	v31 =	vmul.f32 v20, v29;
	v29 =	vadd.f32 v32, v15;
	v20 =	vld [tilespmem:s31+$0xE5B0]  }
0xe5: {  	v11 =	vld [tilespmem:s31+$0xE590];
	v12 =	vmul.f32 v21, v30;
	v3 =	vmul.f32 v19, v3  }
0xe6: {  	v44 =	vadd.f32 v26, v15;
	v47 =	vmul.f32 v19, v2;
	[tilespmem:s31+$0xE520] =	vst v31;
	v42 =	vmul.f32 v24, v28  }
0xe7: {  	v14 =	vld [tilespmem:s31+$0xE5C0];
	[tilespmem:s31+$0xE5F0] =	vst v12;
	v45 =	vmul.f32 v25, v29;
	v3 =	vadd.f32 v3, v5  }
0xe8: {  	v43 =	vld [tilespmem:s31+$0xE570];
	v49 =	vadd.f32 v47, v6;
	[tilespmem:s31+$0xE5A0] =	vst v42;
	v12 =	vmul.f32 v23, v44  }
0xe9: {  	v46 =	vld [tilespmem:s31+$0xE5D0];
	v9 =	vmul.f32 v17, v9;
	v51 =	vadd.f32 v22, v10;
	[tilespmem:s31+$0xE560] =	vst v45;
	v3 =	vmul.f32 v3, v16  }
0xea: {  	v50 =	vld [tilespmem:s31+$0xE530];
	v54 =	vmul.f32 v19, v0;
	v53 =	vadd.f32 v27, v8;
	[tilespmem:s31+$0xE5E0] =	vst v12;
	v11 =	vmul.f32 v11, v49  }
0xeb: {  	v55 =	vld [tilespmem:s31+$0xE510];
	v4 =	vmul.f32 v17, v4;
	v9 =	vadd.f32 v9, v13;
	v12 =	vmul.f32 v20, v51;
	[tilespmem:s31+$0xE580] =	vst v3  }
0xec: {  	v58 =	vld [tilespmem:s31+$0xE500];
	v59 =	vmul.f32 v17, v2;
	v57 =	vadd.f32 v54, v7;
	v56 =	vmul.f32 v14, v53;
	[tilespmem:s31+$0xE590] =	vst v11  }
0xed: {  	v48 =	vld [tilespmem:s31+$0xE540];
	v4 =	vadd.f32 v4, v10;
	v9 =	vmul.f32 v43, v9;
	[tilespmem:s31+$0xE5B0] =	vst v12  }
0xee: {  	v52 =	vld [tilespmem:s31+$0xE550];
	v1 =	vmul.f32 v17, v1;
	v2 =	vadd.f32 v59, v6;
	v60 =	vmul.f32 v46, v57;
	[tilespmem:s31+$0xE5C0] =	vst v56  }
0xef: {  	v61 =	vmul.f32 v17, v0;
	v62 =	vadd.f32 v18, v5;
	v4 =	vmul.f32 v50, v4;
	[tilespmem:s31+$0xE570] =	vst v9  }
0xf0: {  	v1 =	vadd.f32 v1, v8;
	v2 =	vmul.f32 v55, v2;
	[tilespmem:s31+$0xE5D0] =	vst v60  }
0xf1: {  	v0 =	vadd.f32 v61, v7;
	v63 =	vmul.f32 v62, v58;
	[tilespmem:s31+$0xE530] =	vst v4  }
0xf2: {  	v1 =	vmul.f32 v48, v1;
	[tilespmem:s31+$0xE510] =	vst v2  }
0xf3: {  	v0 =	vmul.f32 v52, v0;
	[tilespmem:s31+$0xE500] =	vst v63  }
0xf4: {  	[tilespmem:s31+$0xE540] =	vst v1  }
0xf5: {  	[tilespmem:s31+$0xE550] =	vst v0  }
0xf6: {  	[hbm4b:s10+s5] =	stream.linear.scatter [tilespmem:s19], [sflag:$0x6], $0x2000, $0x38;
	[tilespmem:$0x10500] =	vst v63  }
0xf7: {  	_ =	swait.ge [sflag:s26], $0x8000  }
0xf8: {  	[sflag:s26] =	ssyncset.done $0x0  }
0xf9: {  	s30 =	sadd.s32 $0x1, s30;
	[sflag:s26] =	ssyncadd.s32 $0xFFFF8000  }
0xfa: {  	p0 =	sne.s32 s30, s11;
	_ =	swait.ge [sflag:s28], $0x6000  }
.Ltmp3:
0xfb: {  	[sflag:s28] =	ssyncset.done $0x0;
	(pc) =	sbr.rel @p0 .LBB2_1-.Ltmp3, $4  }
0xfc: {  	[sflag:s28] =	ssyncadd.s32 $0xFFFFA000  }
0xfd: {  	_ =	swait.ge [sflag:s29], $0x2000  }
0xfe: {  	[sflag:s29] =	ssyncset.done $0x0  }
0xff: {  	[sflag:s29] =	ssyncadd.s32 $0xFFFFE000  }
0x100: {  	_ =	sfence.sel $0x180000  }
0x101: {  	[bflag:$0x0] =	sbarrier.arrive $0xFFFF  }
0x102: {  	_ =	strace $0x90000047  }
0x103: {  	s0 =	stileid.u32;
	[bflag:$0x2] =	sbarrier.arrive $0xFFFF  }
0x104: {  	p0 =	sne.s32 s0, $0x0;
	s0 =	rddreg [dreg:$0x6]  }
0x105: {  	s0 =	sadd.s32 @!p0 $0x100000, s0  }
0x106: {  	[sflag:s0] =	ssyncadd.tile.s32 @!p0 $0x1;
	_ =	shalt  }
.Lfunc_end2:
_tile_overlayer_lowered:
.L_overlay_start_2:
0x107: {  	(tag) =	ssettag $0x2  }
0x108: {  	s0 =	rddreg [dreg:$0x0];
	s2 =	stileid.u32  }
0x109: {  	s1 =	rddreg [dreg:$0x1];
	p0 =	sne.s32 s2, $0x0  }
0x10a: {  	s3 =	rddreg [dreg:$0x2];
	[bflag:$0x3] =	sbarrier.arrive $0xFFFF;
	s2 =	simm.s32 @!p0 $0x1C07  }
0x10b: {  	[timem:s3], [sflag:s2] =	dma.local @!p0 [hbm:s0], s1  }
0x10c: {  	s0 =	simm.s32 @!p0 $0x7  }
0x10d: {  	_ =	swait.ge @!p0 [sflag:s0], s1  }
0x10e: {  	s1 =	ssub.s32 @!p0 $0x0, s1;
	[sflag:s0] =	ssyncset.done @!p0 $0x0  }
0x10f: {  	[sflag:s0] =	ssyncadd.s32 @!p0 s1  }
0x110: {  	[bflag:$0x3] =	sbarrier.arrive $0xFFFF  }
0x111: {  	_ =	shalt  }

</sc_bundles>
